<compile_context>
chip_gen: v7x
topology: tpu7x:2x2x1
jax: 0.10.2.dev20260603
libtpu: 0.0.44.dev20260713+nightly
codegen_flags: <defaults>
</compile_context>

<pallas_src>
import functools

import jax
import jax.numpy as jnp
from jax import lax
from jax.experimental import pallas as pl
from jax.experimental.pallas import tpu as pltpu
from jax.experimental.pallas import tpu_sc as plsc

D_HALF = 64
D_MODEL = 128
N_SPLIT = 5



@functools.lru_cache(maxsize=None)
def _make_sc_gather(n_rows: int, chunk: int):
    info = plsc.get_sparse_core_info()
    nc, ns = info.num_cores, info.num_subcores
    nw = nc * ns
    n_per = n_rows // nw
    n_chunks = n_per // chunk
    assert n_per % chunk == 0 and n_rows % nw == 0 and chunk % 8 == 0

    mesh = plsc.VectorSubcoreMesh(core_axis_name="c", subcore_axis_name="s")

    @functools.partial(
        pl.kernel,
        mesh=mesh,
        compiler_params=pltpu.CompilerParams(use_tc_tiling_on_sc=False),
        out_type=jax.ShapeDtypeStruct((n_rows, D_MODEL), jnp.float32),
        scratch_types=[
            pltpu.VMEM((chunk,), jnp.int32),
            pltpu.VMEM((chunk, D_HALF), jnp.float32),
            pltpu.SemaphoreType.DMA,
        ],
    )
    def gather_k(ids_hbm, table_hbm, out_hbm, idx_v, rows_v, sem):
        wid = lax.axis_index("s") * nc + lax.axis_index("c")
        base = wid * n_per

        def body(i, carry):
            off = base + i * chunk
            pltpu.sync_copy(ids_hbm.at[pl.ds(off, chunk)], idx_v)
            pltpu.async_copy(table_hbm.at[idx_v], rows_v, sem).wait()
            pltpu.sync_copy(rows_v,
                            out_hbm.at[pl.ds(off, chunk), pl.ds(0, D_HALF)])
            return carry

        lax.fori_loop(0, n_chunks, body, 0)

    return gather_k



def _tc_body(id_ref, st_ref, wst_ref, bst_ref, wc_ref, bc_ref, *rest):
    o_ref = rest[-1]
    n = id_ref.shape[0]
    st = st_ref[...].reshape(16, n)
    pre = jnp.dot(st.T, wst_ref[...], preferred_element_type=jnp.float32)
    pre = pre + bst_ref[...]
    stat_emb = 0.5 * pre * (1.0 + lax.erf(pre * 0.7071067811865476))
    id_emb = id_ref[...][:, :D_HALF]
    acc = jnp.dot(id_emb, wc_ref[:D_HALF, :],
                  preferred_element_type=jnp.float32)
    acc = acc + jnp.dot(stat_emb, wc_ref[D_HALF:, :],
                        preferred_element_type=jnp.float32)
    o_ref[...] = (acc + bc_ref[...]).reshape(1, n, D_MODEL)


@functools.lru_cache(maxsize=None)
def _make_tc_dense(b: int, l: int, s: int, ns: int, alias: bool):
    lq = l // ns
    assert l % ns == 0
    grid = (lq,)
    base = s * lq
    in_specs = [
        pl.BlockSpec((b, D_MODEL), lambda j: (j, 0)),
        pl.BlockSpec((1, 16, b), lambda j: (base + j, 0, 0)),
        pl.BlockSpec((16, D_HALF), lambda j: (0, 0)),
        pl.BlockSpec((1, D_HALF), lambda j: (0, 0)),
        pl.BlockSpec((D_MODEL, D_MODEL), lambda j: (0, 0)),
        pl.BlockSpec((1, D_MODEL), lambda j: (0, 0)),
    ]
    if alias:
        in_specs.append(pl.BlockSpec(memory_space=pl.ANY))
    return pl.pallas_call(
        _tc_body,
        grid=grid,
        in_specs=in_specs,
        out_specs=pl.BlockSpec((1, b, D_MODEL), lambda j: (base + j, 0, 0)),
        out_shape=jax.ShapeDtypeStruct((l, b, D_MODEL), jnp.float32),
        input_output_aliases={6: 0} if alias else {},
    )



def kernel(card_ids, card_stats, emb_table, W_stat, b_stat, W_comb, b_comb):
    b, l = card_ids.shape
    n_rows = b * l
    ns = N_SPLIT
    rows_q = n_rows // ns

    flat_ids = jnp.transpose(card_ids, (1, 0)).reshape(n_rows)
    flat_ids = flat_ids.astype(jnp.int32) * 2
    table2 = jnp.pad(emb_table, ((0, 0), (0, D_MODEL - D_HALF)))
    table2 = table2.reshape(2 * table2.shape[0], D_HALF)

    gather = _make_sc_gather(rows_q, 640)
    id_emb_q = [
        gather(lax.slice(flat_ids, (q * rows_q,), ((q + 1) * rows_q,)), table2)
        for q in range(ns)
    ]

    st_j = jnp.transpose(jnp.pad(card_stats, ((0, 0), (0, 0), (0, 6))),
                         (1, 2, 0))
    wst16 = jnp.pad(W_stat, ((0, 6), (0, 0)))
    bst = b_stat.reshape(1, D_HALF)
    bc = b_comb.reshape(1, D_MODEL)
    out = _make_tc_dense(b, l, 0, ns, False)(
        id_emb_q[0], st_j, wst16, bst, W_comb, bc)
    for q in range(1, ns):
        out = _make_tc_dense(b, l, q, ns, True)(
            id_emb_q[q], st_j, wst16, bst, W_comb, bc, out)
    return jnp.transpose(out, (1, 0, 2))

# --- scband reference (transcript-rebuilt; emitter-appended) ---
"""Pipeline reference for scband-card-encoder-16398185136939 (READ-ONLY COPY).

The authoritative reference and input builder live on the scoring server;
editing this copy changes nothing except your own understanding.
"""

import jax, jax.numpy as jnp
import numpy as np

VOCAB = 100000
D_MODEL = 128
D_HALF = D_MODEL // 2
B, L = 4096, 50


def setup_inputs(seed: int = 0) -> dict:
    key = jax.random.key(seed)
    k1, k2, k3, k4, k5 = jax.random.split(key, 5)
    card_ids = jax.random.randint(k1, (B, L), 0, VOCAB, dtype=jnp.int64 if jax.config.jax_enable_x64 else jnp.int32)
    card_stats = jax.random.normal(k2, (B, L, 10), dtype=jnp.float32)
    emb_table = jax.random.normal(k3, (VOCAB, D_HALF), dtype=jnp.float32) * 0.02
    W_stat = jax.random.normal(k4, (10, D_HALF), dtype=jnp.float32) * (1.0 / np.sqrt(10.0))
    b_stat = jnp.zeros((D_HALF,), dtype=jnp.float32)
    W_comb = jax.random.normal(k5, (D_MODEL, D_MODEL), dtype=jnp.float32) * (1.0 / np.sqrt(D_MODEL))
    b_comb = jnp.zeros((D_MODEL,), dtype=jnp.float32)
    return {
        "card_ids": card_ids,
        "card_stats": card_stats,
        "emb_table": emb_table,
        "W_stat": W_stat,
        "b_stat": b_stat,
        "W_comb": W_comb,
        "b_comb": b_comb,
    }


def reference(card_ids, card_stats, emb_table, W_stat, b_stat, W_comb, b_comb):
    # nn.Embedding lookup -> gather rows
    id_emb = jnp.take(emb_table, card_ids, axis=0)  # [B, L, 64]
    # stat_encoder: Linear(10 -> 64) + GELU (torch default = exact erf GELU)
    stat_emb = jax.nn.gelu(card_stats @ W_stat + b_stat, approximate=False)  # [B, L, 64]
    combined = jnp.concatenate([id_emb, stat_emb], axis=-1)  # [B, L, 128]
    return combined @ W_comb + b_comb  # [B, L, 128]

if __name__ == "__main__":
    import jax
    _d = setup_inputs()
    print(jax.jit(kernel)(*tuple(_d.values())))

</pallas_src>

<mosaic_0001>
#map = affine_map<(d0, d1) -> (0)>
#map1 = affine_map<(d0, d1) -> (0, 0)>
module attributes {stable_mosaic.version = 14 : i64} {
  func.func @gather_k(%arg0: i32, %arg1: i32, %arg2: memref<40960xi32, #tpu.memory_space<hbm>>, %arg3: memref<200000x64xf32, #tpu.memory_space<hbm>>, %arg4: memref<40960x128xf32, #tpu.memory_space<hbm>>, %arg5: memref<640xi32, #tpu.memory_space<vmem>>, %arg6: memref<640x64xf32, #tpu.memory_space<vmem>>, %arg7: memref<!tpu.dma_semaphore, #tpu.memory_space<semaphore_mem>>) attributes {dimension_semantics = [#tpu.dimension_semantics<core_parallel>, #tpu.dimension_semantics<subcore_parallel>], iteration_bounds = array<i64: 2, 16>, scalar_prefetch = 0 : i64, scratch_operands = 3 : i64, tpu.core_type = #tpu.core_type<sc_vector_subcore>, window_params = [{transform_indices = #map}, {transform_indices = #map1}, {transform_indices = #map1}]} {
    %mul3A = arith.constant 2 : i32
    %mul3A_0 = arith.muli %arg1, %mul3A : i32
    %add3A = arith.addi %mul3A_0, %arg0 : i32
    %mul3A_1 = arith.constant 1280 : i32
    %mul3A_2 = arith.muli %add3A, %mul3A_1 : i32
    %scan3A = arith.constant 0 : i32
    %scan3A_3 = arith.constant 0 : i32
    %scan3A_4 = arith.constant 2 : i32
    %scan3A_5 = arith.addi %scan3A_3, %scan3A_4 : i32
    %scan3A_6 = arith.constant 1 : i32
    scf.for %scan3A_8 = %scan3A_3 to %scan3A_5 step %scan3A_6  : i32 {
      %mul3A_9 = arith.constant 640 : i32
      %mul3A_10 = arith.muli %scan3A_8, %mul3A_9 : i32
      %add3A_11 = arith.addi %mul3A_2, %mul3A_10 : i32
      "tpu.region"() ({
        %run_scoped3A = tpu.sem_alloc : memref<!tpu.dma_semaphore, #tpu.memory_space<semaphore_mem>>
        %dma_start3A_16 = tpu.memref_slice %arg2[%add3A_11] : memref<40960xi32, #tpu.memory_space<hbm>> -> memref<640xi32, #tpu.memory_space<hbm>>
        %dma_start3A_17 = tpu.memref_slice %arg2[%add3A_11] : memref<40960xi32, #tpu.memory_space<hbm>> -> memref<640xi32, #tpu.memory_space<hbm>>
        tpu.enqueue_dma source(%dma_start3A_17 : memref<640xi32, #tpu.memory_space<hbm>>) target(%arg5 : memref<640xi32, #tpu.memory_space<vmem>>) target_semaphore(%run_scoped3A : memref<!tpu.dma_semaphore, #tpu.memory_space<semaphore_mem>>)
        %dma_wait3A_18 = tpu.memref_slice %arg2[%add3A_11] : memref<40960xi32, #tpu.memory_space<hbm>> -> memref<640xi32, #tpu.memory_space<hbm>>
        %dma_wait3A_19 = tpu.memref_slice %arg2[%add3A_11] : memref<40960xi32, #tpu.memory_space<hbm>> -> memref<640xi32, #tpu.memory_space<hbm>>
        tpu.wait_dma2 semaphore(%run_scoped3A : memref<!tpu.dma_semaphore, #tpu.memory_space<semaphore_mem>>) src(%dma_wait3A_19 : memref<640xi32, #tpu.memory_space<hbm>>) dst(%arg5 : memref<640xi32, #tpu.memory_space<vmem>>)
        tpu.yield
      }) : () -> ()
      %dma_start3A = arith.constant 0 : i32
      %dma_start3A_12 = arith.constant 0 : i32
      %dma_start3A_13 = tpu.memref_slice %arg3[%dma_start3A, %dma_start3A_12] : memref<200000x64xf32, #tpu.memory_space<hbm>> -> memref<200000x64xf32, #tpu.memory_space<hbm>>
      tpu.enqueue_indirect_dma source(%dma_start3A_13 : memref<200000x64xf32, #tpu.memory_space<hbm>>) target(%arg6 : memref<640x64xf32, #tpu.memory_space<vmem>>) offsets(%arg5 : memref<640xi32, #tpu.memory_space<vmem>>) semaphore(%arg7 : memref<!tpu.dma_semaphore, #tpu.memory_space<semaphore_mem>>)
      %dma_wait3A = arith.constant 0 : i32
      %dma_wait3A_14 = arith.constant 0 : i32
      %dma_wait3A_15 = tpu.memref_slice %arg3[%dma_wait3A, %dma_wait3A_14] : memref<200000x64xf32, #tpu.memory_space<hbm>> -> memref<200000x64xf32, #tpu.memory_space<hbm>>
      tpu.wait_indirect_dma semaphore(%arg7 : memref<!tpu.dma_semaphore, #tpu.memory_space<semaphore_mem>>) src(%dma_wait3A_15 : memref<200000x64xf32, #tpu.memory_space<hbm>>) dst(%arg6 : memref<640x64xf32, #tpu.memory_space<vmem>>)
      "tpu.region"() ({
        %run_scoped3A = tpu.sem_alloc : memref<!tpu.dma_semaphore, #tpu.memory_space<semaphore_mem>>
        %dma_start3A_16 = arith.constant 0 : i32
        %dma_start3A_17 = tpu.memref_slice %arg4[%add3A_11, %dma_start3A_16] : memref<40960x128xf32, #tpu.memory_space<hbm>> -> memref<640x64xf32, #tpu.memory_space<hbm>>
        %dma_start3A_18 = arith.constant 0 : i32
        %dma_start3A_19 = tpu.memref_slice %arg4[%add3A_11, %dma_start3A_18] : memref<40960x128xf32, #tpu.memory_space<hbm>> -> memref<640x64xf32, #tpu.memory_space<hbm>>
        tpu.enqueue_dma source(%arg6 : memref<640x64xf32, #tpu.memory_space<vmem>>) target(%dma_start3A_19 : memref<640x64xf32, #tpu.memory_space<hbm>>) target_semaphore(%run_scoped3A : memref<!tpu.dma_semaphore, #tpu.memory_space<semaphore_mem>>)
        %dma_wait3A_20 = arith.constant 0 : i32
        %dma_wait3A_21 = tpu.memref_slice %arg4[%add3A_11, %dma_wait3A_20] : memref<40960x128xf32, #tpu.memory_space<hbm>> -> memref<640x64xf32, #tpu.memory_space<hbm>>
        %dma_wait3A_22 = arith.constant 0 : i32
        %dma_wait3A_23 = tpu.memref_slice %arg4[%add3A_11, %dma_wait3A_22] : memref<40960x128xf32, #tpu.memory_space<hbm>> -> memref<640x64xf32, #tpu.memory_space<hbm>>
        tpu.wait_dma2 semaphore(%run_scoped3A : memref<!tpu.dma_semaphore, #tpu.memory_space<semaphore_mem>>) src(%arg6 : memref<640x64xf32, #tpu.memory_space<vmem>>) dst(%dma_wait3A_23 : memref<640x64xf32, #tpu.memory_space<hbm>>)
        tpu.yield
      }) : () -> ()
    }
    %scan3A_7 = arith.constant 2 : i32
    return
  }
}

#map = affine_map<(d0, d1) -> (0)>
#map1 = affine_map<(d0, d1) -> (0, 0)>
module attributes {stable_mosaic.version = 14 : i64} {
  func.func @gather_k(%arg0: i32, %arg1: i32, %arg2: memref<40960xi32, #tpu.memory_space<hbm>>, %arg3: memref<200000x64xf32, #tpu.memory_space<hbm>>, %arg4: memref<40960x128xf32, #tpu.memory_space<hbm>>, %arg5: memref<640xi32, #tpu.memory_space<vmem>>, %arg6: memref<640x64xf32, #tpu.memory_space<vmem>>, %arg7: memref<!tpu.dma_semaphore, #tpu.memory_space<semaphore_mem>>) attributes {dimension_semantics = [#tpu.dimension_semantics<core_parallel>, #tpu.dimension_semantics<subcore_parallel>], iteration_bounds = array<i64: 2, 16>, scalar_prefetch = 0 : i64, scratch_operands = 3 : i64, tpu.core_type = #tpu.core_type<sc_vector_subcore>, window_params = [{transform_indices = #map}, {transform_indices = #map1}, {transform_indices = #map1}]} {
    %mul3A = arith.constant 2 : i32
    %mul3A_0 = arith.muli %arg1, %mul3A : i32
    %add3A = arith.addi %mul3A_0, %arg0 : i32
    %mul3A_1 = arith.constant 1280 : i32
    %mul3A_2 = arith.muli %add3A, %mul3A_1 : i32
    %scan3A = arith.constant 0 : i32
    %scan3A_3 = arith.constant 0 : i32
    %scan3A_4 = arith.constant 2 : i32
    %scan3A_5 = arith.addi %scan3A_3, %scan3A_4 : i32
    %scan3A_6 = arith.constant 1 : i32
    scf.for %scan3A_8 = %scan3A_3 to %scan3A_5 step %scan3A_6  : i32 {
      %mul3A_9 = arith.constant 640 : i32
      %mul3A_10 = arith.muli %scan3A_8, %mul3A_9 : i32
      %add3A_11 = arith.addi %mul3A_2, %mul3A_10 : i32
      "tpu.region"() ({
        %run_scoped3A = tpu.sem_alloc : memref<!tpu.dma_semaphore, #tpu.memory_space<semaphore_mem>>
        %dma_start3A_16 = tpu.memref_slice %arg2[%add3A_11] : memref<40960xi32, #tpu.memory_space<hbm>> -> memref<640xi32, #tpu.memory_space<hbm>>
        %dma_start3A_17 = tpu.memref_slice %arg2[%add3A_11] : memref<40960xi32, #tpu.memory_space<hbm>> -> memref<640xi32, #tpu.memory_space<hbm>>
        tpu.enqueue_dma source(%dma_start3A_17 : memref<640xi32, #tpu.memory_space<hbm>>) target(%arg5 : memref<640xi32, #tpu.memory_space<vmem>>) target_semaphore(%run_scoped3A : memref<!tpu.dma_semaphore, #tpu.memory_space<semaphore_mem>>)
        %dma_wait3A_18 = tpu.memref_slice %arg2[%add3A_11] : memref<40960xi32, #tpu.memory_space<hbm>> -> memref<640xi32, #tpu.memory_space<hbm>>
        %dma_wait3A_19 = tpu.memref_slice %arg2[%add3A_11] : memref<40960xi32, #tpu.memory_space<hbm>> -> memref<640xi32, #tpu.memory_space<hbm>>
        tpu.wait_dma2 semaphore(%run_scoped3A : memref<!tpu.dma_semaphore, #tpu.memory_space<semaphore_mem>>) src(%dma_wait3A_19 : memref<640xi32, #tpu.memory_space<hbm>>) dst(%arg5 : memref<640xi32, #tpu.memory_space<vmem>>)
        tpu.yield
      }) : () -> ()
      %dma_start3A = arith.constant 0 : i32
      %dma_start3A_12 = arith.constant 0 : i32
      %dma_start3A_13 = tpu.memref_slice %arg3[%dma_start3A, %dma_start3A_12] : memref<200000x64xf32, #tpu.memory_space<hbm>> -> memref<200000x64xf32, #tpu.memory_space<hbm>>
      tpu.enqueue_indirect_dma source(%dma_start3A_13 : memref<200000x64xf32, #tpu.memory_space<hbm>>) target(%arg6 : memref<640x64xf32, #tpu.memory_space<vmem>>) offsets(%arg5 : memref<640xi32, #tpu.memory_space<vmem>>) semaphore(%arg7 : memref<!tpu.dma_semaphore, #tpu.memory_space<semaphore_mem>>)
      %dma_wait3A = arith.constant 0 : i32
      %dma_wait3A_14 = arith.constant 0 : i32
      %dma_wait3A_15 = tpu.memref_slice %arg3[%dma_wait3A, %dma_wait3A_14] : memref<200000x64xf32, #tpu.memory_space<hbm>> -> memref<200000x64xf32, #tpu.memory_space<hbm>>
      tpu.wait_indirect_dma semaphore(%arg7 : memref<!tpu.dma_semaphore, #tpu.memory_space<semaphore_mem>>) src(%dma_wait3A_15 : memref<200000x64xf32, #tpu.memory_space<hbm>>) dst(%arg6 : memref<640x64xf32, #tpu.memory_space<vmem>>)
      "tpu.region"() ({
        %run_scoped3A = tpu.sem_alloc : memref<!tpu.dma_semaphore, #tpu.memory_space<semaphore_mem>>
        %dma_start3A_16 = arith.constant 0 : i32
        %dma_start3A_17 = tpu.memref_slice %arg4[%add3A_11, %dma_start3A_16] : memref<40960x128xf32, #tpu.memory_space<hbm>> -> memref<640x64xf32, #tpu.memory_space<hbm>>
        %dma_start3A_18 = arith.constant 0 : i32
        %dma_start3A_19 = tpu.memref_slice %arg4[%add3A_11, %dma_start3A_18] : memref<40960x128xf32, #tpu.memory_space<hbm>> -> memref<640x64xf32, #tpu.memory_space<hbm>>
        tpu.enqueue_dma source(%arg6 : memref<640x64xf32, #tpu.memory_space<vmem>>) target(%dma_start3A_19 : memref<640x64xf32, #tpu.memory_space<hbm>>) target_semaphore(%run_scoped3A : memref<!tpu.dma_semaphore, #tpu.memory_space<semaphore_mem>>)
        %dma_wait3A_20 = arith.constant 0 : i32
        %dma_wait3A_21 = tpu.memref_slice %arg4[%add3A_11, %dma_wait3A_20] : memref<40960x128xf32, #tpu.memory_space<hbm>> -> memref<640x64xf32, #tpu.memory_space<hbm>>
        %dma_wait3A_22 = arith.constant 0 : i32
        %dma_wait3A_23 = tpu.memref_slice %arg4[%add3A_11, %dma_wait3A_22] : memref<40960x128xf32, #tpu.memory_space<hbm>> -> memref<640x64xf32, #tpu.memory_space<hbm>>
        tpu.wait_dma2 semaphore(%run_scoped3A : memref<!tpu.dma_semaphore, #tpu.memory_space<semaphore_mem>>) src(%arg6 : memref<640x64xf32, #tpu.memory_space<vmem>>) dst(%dma_wait3A_23 : memref<640x64xf32, #tpu.memory_space<hbm>>)
        tpu.yield
      }) : () -> ()
    }
    %scan3A_7 = arith.constant 2 : i32
    return
  }
}

#map = affine_map<(d0, d1) -> (0)>
#map1 = affine_map<(d0, d1) -> (0, 0)>
module attributes {stable_mosaic.version = 14 : i64} {
  func.func @gather_k(%arg0: i32, %arg1: i32, %arg2: memref<40960xi32, #tpu.memory_space<hbm>>, %arg3: memref<200000x64xf32, #tpu.memory_space<hbm>>, %arg4: memref<40960x128xf32, #tpu.memory_space<hbm>>, %arg5: memref<640xi32, #tpu.memory_space<vmem>>, %arg6: memref<640x64xf32, #tpu.memory_space<vmem>>, %arg7: memref<!tpu.dma_semaphore, #tpu.memory_space<semaphore_mem>>) attributes {dimension_semantics = [#tpu.dimension_semantics<core_parallel>, #tpu.dimension_semantics<subcore_parallel>], iteration_bounds = array<i64: 2, 16>, scalar_prefetch = 0 : i64, scratch_operands = 3 : i64, tpu.core_type = #tpu.core_type<sc_vector_subcore>, window_params = [{transform_indices = #map}, {transform_indices = #map1}, {transform_indices = #map1}]} {
    %mul3A = arith.constant 2 : i32
    %mul3A_0 = arith.muli %arg1, %mul3A : i32
    %add3A = arith.addi %mul3A_0, %arg0 : i32
    %mul3A_1 = arith.constant 1280 : i32
    %mul3A_2 = arith.muli %add3A, %mul3A_1 : i32
    %scan3A = arith.constant 0 : i32
    %scan3A_3 = arith.constant 0 : i32
    %scan3A_4 = arith.constant 2 : i32
    %scan3A_5 = arith.addi %scan3A_3, %scan3A_4 : i32
    %scan3A_6 = arith.constant 1 : i32
    scf.for %scan3A_8 = %scan3A_3 to %scan3A_5 step %scan3A_6  : i32 {
      %mul3A_9 = arith.constant 640 : i32
      %mul3A_10 = arith.muli %scan3A_8, %mul3A_9 : i32
      %add3A_11 = arith.addi %mul3A_2, %mul3A_10 : i32
      "tpu.region"() ({
        %run_scoped3A = tpu.sem_alloc : memref<!tpu.dma_semaphore, #tpu.memory_space<semaphore_mem>>
        %dma_start3A_16 = tpu.memref_slice %arg2[%add3A_11] : memref<40960xi32, #tpu.memory_space<hbm>> -> memref<640xi32, #tpu.memory_space<hbm>>
        %dma_start3A_17 = tpu.memref_slice %arg2[%add3A_11] : memref<40960xi32, #tpu.memory_space<hbm>> -> memref<640xi32, #tpu.memory_space<hbm>>
        tpu.enqueue_dma source(%dma_start3A_17 : memref<640xi32, #tpu.memory_space<hbm>>) target(%arg5 : memref<640xi32, #tpu.memory_space<vmem>>) target_semaphore(%run_scoped3A : memref<!tpu.dma_semaphore, #tpu.memory_space<semaphore_mem>>)
        %dma_wait3A_18 = tpu.memref_slice %arg2[%add3A_11] : memref<40960xi32, #tpu.memory_space<hbm>> -> memref<640xi32, #tpu.memory_space<hbm>>
        %dma_wait3A_19 = tpu.memref_slice %arg2[%add3A_11] : memref<40960xi32, #tpu.memory_space<hbm>> -> memref<640xi32, #tpu.memory_space<hbm>>
        tpu.wait_dma2 semaphore(%run_scoped3A : memref<!tpu.dma_semaphore, #tpu.memory_space<semaphore_mem>>) src(%dma_wait3A_19 : memref<640xi32, #tpu.memory_space<hbm>>) dst(%arg5 : memref<640xi32, #tpu.memory_space<vmem>>)
        tpu.yield
      }) : () -> ()
      %dma_start3A = arith.constant 0 : i32
      %dma_start3A_12 = arith.constant 0 : i32
      %dma_start3A_13 = tpu.memref_slice %arg3[%dma_start3A, %dma_start3A_12] : memref<200000x64xf32, #tpu.memory_space<hbm>> -> memref<200000x64xf32, #tpu.memory_space<hbm>>
      tpu.enqueue_indirect_dma source(%dma_start3A_13 : memref<200000x64xf32, #tpu.memory_space<hbm>>) target(%arg6 : memref<640x64xf32, #tpu.memory_space<vmem>>) offsets(%arg5 : memref<640xi32, #tpu.memory_space<vmem>>) semaphore(%arg7 : memref<!tpu.dma_semaphore, #tpu.memory_space<semaphore_mem>>)
      %dma_wait3A = arith.constant 0 : i32
      %dma_wait3A_14 = arith.constant 0 : i32
      %dma_wait3A_15 = tpu.memref_slice %arg3[%dma_wait3A, %dma_wait3A_14] : memref<200000x64xf32, #tpu.memory_space<hbm>> -> memref<200000x64xf32, #tpu.memory_space<hbm>>
      tpu.wait_indirect_dma semaphore(%arg7 : memref<!tpu.dma_semaphore, #tpu.memory_space<semaphore_mem>>) src(%dma_wait3A_15 : memref<200000x64xf32, #tpu.memory_space<hbm>>) dst(%arg6 : memref<640x64xf32, #tpu.memory_space<vmem>>)
      "tpu.region"() ({
        %run_scoped3A = tpu.sem_alloc : memref<!tpu.dma_semaphore, #tpu.memory_space<semaphore_mem>>
        %dma_start3A_16 = arith.constant 0 : i32
        %dma_start3A_17 = tpu.memref_slice %arg4[%add3A_11, %dma_start3A_16] : memref<40960x128xf32, #tpu.memory_space<hbm>> -> memref<640x64xf32, #tpu.memory_space<hbm>>
        %dma_start3A_18 = arith.constant 0 : i32
        %dma_start3A_19 = tpu.memref_slice %arg4[%add3A_11, %dma_start3A_18] : memref<40960x128xf32, #tpu.memory_space<hbm>> -> memref<640x64xf32, #tpu.memory_space<hbm>>
        tpu.enqueue_dma source(%arg6 : memref<640x64xf32, #tpu.memory_space<vmem>>) target(%dma_start3A_19 : memref<640x64xf32, #tpu.memory_space<hbm>>) target_semaphore(%run_scoped3A : memref<!tpu.dma_semaphore, #tpu.memory_space<semaphore_mem>>)
        %dma_wait3A_20 = arith.constant 0 : i32
        %dma_wait3A_21 = tpu.memref_slice %arg4[%add3A_11, %dma_wait3A_20] : memref<40960x128xf32, #tpu.memory_space<hbm>> -> memref<640x64xf32, #tpu.memory_space<hbm>>
        %dma_wait3A_22 = arith.constant 0 : i32
        %dma_wait3A_23 = tpu.memref_slice %arg4[%add3A_11, %dma_wait3A_22] : memref<40960x128xf32, #tpu.memory_space<hbm>> -> memref<640x64xf32, #tpu.memory_space<hbm>>
        tpu.wait_dma2 semaphore(%run_scoped3A : memref<!tpu.dma_semaphore, #tpu.memory_space<semaphore_mem>>) src(%arg6 : memref<640x64xf32, #tpu.memory_space<vmem>>) dst(%dma_wait3A_23 : memref<640x64xf32, #tpu.memory_space<hbm>>)
        tpu.yield
      }) : () -> ()
    }
    %scan3A_7 = arith.constant 2 : i32
    return
  }
}

#map = affine_map<(d0, d1) -> (0)>
#map1 = affine_map<(d0, d1) -> (0, 0)>
module attributes {stable_mosaic.version = 14 : i64} {
  func.func @gather_k(%arg0: i32, %arg1: i32, %arg2: memref<40960xi32, #tpu.memory_space<hbm>>, %arg3: memref<200000x64xf32, #tpu.memory_space<hbm>>, %arg4: memref<40960x128xf32, #tpu.memory_space<hbm>>, %arg5: memref<640xi32, #tpu.memory_space<vmem>>, %arg6: memref<640x64xf32, #tpu.memory_space<vmem>>, %arg7: memref<!tpu.dma_semaphore, #tpu.memory_space<semaphore_mem>>) attributes {dimension_semantics = [#tpu.dimension_semantics<core_parallel>, #tpu.dimension_semantics<subcore_parallel>], iteration_bounds = array<i64: 2, 16>, scalar_prefetch = 0 : i64, scratch_operands = 3 : i64, tpu.core_type = #tpu.core_type<sc_vector_subcore>, window_params = [{transform_indices = #map}, {transform_indices = #map1}, {transform_indices = #map1}]} {
    %mul3A = arith.constant 2 : i32
    %mul3A_0 = arith.muli %arg1, %mul3A : i32
    %add3A = arith.addi %mul3A_0, %arg0 : i32
    %mul3A_1 = arith.constant 1280 : i32
    %mul3A_2 = arith.muli %add3A, %mul3A_1 : i32
    %scan3A = arith.constant 0 : i32
    %scan3A_3 = arith.constant 0 : i32
    %scan3A_4 = arith.constant 2 : i32
    %scan3A_5 = arith.addi %scan3A_3, %scan3A_4 : i32
    %scan3A_6 = arith.constant 1 : i32
    scf.for %scan3A_8 = %scan3A_3 to %scan3A_5 step %scan3A_6  : i32 {
      %mul3A_9 = arith.constant 640 : i32
      %mul3A_10 = arith.muli %scan3A_8, %mul3A_9 : i32
      %add3A_11 = arith.addi %mul3A_2, %mul3A_10 : i32
      "tpu.region"() ({
        %run_scoped3A = tpu.sem_alloc : memref<!tpu.dma_semaphore, #tpu.memory_space<semaphore_mem>>
        %dma_start3A_16 = tpu.memref_slice %arg2[%add3A_11] : memref<40960xi32, #tpu.memory_space<hbm>> -> memref<640xi32, #tpu.memory_space<hbm>>
        %dma_start3A_17 = tpu.memref_slice %arg2[%add3A_11] : memref<40960xi32, #tpu.memory_space<hbm>> -> memref<640xi32, #tpu.memory_space<hbm>>
        tpu.enqueue_dma source(%dma_start3A_17 : memref<640xi32, #tpu.memory_space<hbm>>) target(%arg5 : memref<640xi32, #tpu.memory_space<vmem>>) target_semaphore(%run_scoped3A : memref<!tpu.dma_semaphore, #tpu.memory_space<semaphore_mem>>)
        %dma_wait3A_18 = tpu.memref_slice %arg2[%add3A_11] : memref<40960xi32, #tpu.memory_space<hbm>> -> memref<640xi32, #tpu.memory_space<hbm>>
        %dma_wait3A_19 = tpu.memref_slice %arg2[%add3A_11] : memref<40960xi32, #tpu.memory_space<hbm>> -> memref<640xi32, #tpu.memory_space<hbm>>
        tpu.wait_dma2 semaphore(%run_scoped3A : memref<!tpu.dma_semaphore, #tpu.memory_space<semaphore_mem>>) src(%dma_wait3A_19 : memref<640xi32, #tpu.memory_space<hbm>>) dst(%arg5 : memref<640xi32, #tpu.memory_space<vmem>>)
        tpu.yield
      }) : () -> ()
      %dma_start3A = arith.constant 0 : i32
      %dma_start3A_12 = arith.constant 0 : i32
      %dma_start3A_13 = tpu.memref_slice %arg3[%dma_start3A, %dma_start3A_12] : memref<200000x64xf32, #tpu.memory_space<hbm>> -> memref<200000x64xf32, #tpu.memory_space<hbm>>
      tpu.enqueue_indirect_dma source(%dma_start3A_13 : memref<200000x64xf32, #tpu.memory_space<hbm>>) target(%arg6 : memref<640x64xf32, #tpu.memory_space<vmem>>) offsets(%arg5 : memref<640xi32, #tpu.memory_space<vmem>>) semaphore(%arg7 : memref<!tpu.dma_semaphore, #tpu.memory_space<semaphore_mem>>)
      %dma_wait3A = arith.constant 0 : i32
      %dma_wait3A_14 = arith.constant 0 : i32
      %dma_wait3A_15 = tpu.memref_slice %arg3[%dma_wait3A, %dma_wait3A_14] : memref<200000x64xf32, #tpu.memory_space<hbm>> -> memref<200000x64xf32, #tpu.memory_space<hbm>>
      tpu.wait_indirect_dma semaphore(%arg7 : memref<!tpu.dma_semaphore, #tpu.memory_space<semaphore_mem>>) src(%dma_wait3A_15 : memref<200000x64xf32, #tpu.memory_space<hbm>>) dst(%arg6 : memref<640x64xf32, #tpu.memory_space<vmem>>)
      "tpu.region"() ({
        %run_scoped3A = tpu.sem_alloc : memref<!tpu.dma_semaphore, #tpu.memory_space<semaphore_mem>>
        %dma_start3A_16 = arith.constant 0 : i32
        %dma_start3A_17 = tpu.memref_slice %arg4[%add3A_11, %dma_start3A_16] : memref<40960x128xf32, #tpu.memory_space<hbm>> -> memref<640x64xf32, #tpu.memory_space<hbm>>
        %dma_start3A_18 = arith.constant 0 : i32
        %dma_start3A_19 = tpu.memref_slice %arg4[%add3A_11, %dma_start3A_18] : memref<40960x128xf32, #tpu.memory_space<hbm>> -> memref<640x64xf32, #tpu.memory_space<hbm>>
        tpu.enqueue_dma source(%arg6 : memref<640x64xf32, #tpu.memory_space<vmem>>) target(%dma_start3A_19 : memref<640x64xf32, #tpu.memory_space<hbm>>) target_semaphore(%run_scoped3A : memref<!tpu.dma_semaphore, #tpu.memory_space<semaphore_mem>>)
        %dma_wait3A_20 = arith.constant 0 : i32
        %dma_wait3A_21 = tpu.memref_slice %arg4[%add3A_11, %dma_wait3A_20] : memref<40960x128xf32, #tpu.memory_space<hbm>> -> memref<640x64xf32, #tpu.memory_space<hbm>>
        %dma_wait3A_22 = arith.constant 0 : i32
        %dma_wait3A_23 = tpu.memref_slice %arg4[%add3A_11, %dma_wait3A_22] : memref<40960x128xf32, #tpu.memory_space<hbm>> -> memref<640x64xf32, #tpu.memory_space<hbm>>
        tpu.wait_dma2 semaphore(%run_scoped3A : memref<!tpu.dma_semaphore, #tpu.memory_space<semaphore_mem>>) src(%arg6 : memref<640x64xf32, #tpu.memory_space<vmem>>) dst(%dma_wait3A_23 : memref<640x64xf32, #tpu.memory_space<hbm>>)
        tpu.yield
      }) : () -> ()
    }
    %scan3A_7 = arith.constant 2 : i32
    return
  }
}

#map = affine_map<(d0, d1) -> (0)>
#map1 = affine_map<(d0, d1) -> (0, 0)>
module attributes {stable_mosaic.version = 14 : i64} {
  func.func @gather_k(%arg0: i32, %arg1: i32, %arg2: memref<40960xi32, #tpu.memory_space<hbm>>, %arg3: memref<200000x64xf32, #tpu.memory_space<hbm>>, %arg4: memref<40960x128xf32, #tpu.memory_space<hbm>>, %arg5: memref<640xi32, #tpu.memory_space<vmem>>, %arg6: memref<640x64xf32, #tpu.memory_space<vmem>>, %arg7: memref<!tpu.dma_semaphore, #tpu.memory_space<semaphore_mem>>) attributes {dimension_semantics = [#tpu.dimension_semantics<core_parallel>, #tpu.dimension_semantics<subcore_parallel>], iteration_bounds = array<i64: 2, 16>, scalar_prefetch = 0 : i64, scratch_operands = 3 : i64, tpu.core_type = #tpu.core_type<sc_vector_subcore>, window_params = [{transform_indices = #map}, {transform_indices = #map1}, {transform_indices = #map1}]} {
    %mul3A = arith.constant 2 : i32
    %mul3A_0 = arith.muli %arg1, %mul3A : i32
    %add3A = arith.addi %mul3A_0, %arg0 : i32
    %mul3A_1 = arith.constant 1280 : i32
    %mul3A_2 = arith.muli %add3A, %mul3A_1 : i32
    %scan3A = arith.constant 0 : i32
    %scan3A_3 = arith.constant 0 : i32
    %scan3A_4 = arith.constant 2 : i32
    %scan3A_5 = arith.addi %scan3A_3, %scan3A_4 : i32
    %scan3A_6 = arith.constant 1 : i32
    scf.for %scan3A_8 = %scan3A_3 to %scan3A_5 step %scan3A_6  : i32 {
      %mul3A_9 = arith.constant 640 : i32
      %mul3A_10 = arith.muli %scan3A_8, %mul3A_9 : i32
      %add3A_11 = arith.addi %mul3A_2, %mul3A_10 : i32
      "tpu.region"() ({
        %run_scoped3A = tpu.sem_alloc : memref<!tpu.dma_semaphore, #tpu.memory_space<semaphore_mem>>
        %dma_start3A_16 = tpu.memref_slice %arg2[%add3A_11] : memref<40960xi32, #tpu.memory_space<hbm>> -> memref<640xi32, #tpu.memory_space<hbm>>
        %dma_start3A_17 = tpu.memref_slice %arg2[%add3A_11] : memref<40960xi32, #tpu.memory_space<hbm>> -> memref<640xi32, #tpu.memory_space<hbm>>
        tpu.enqueue_dma source(%dma_start3A_17 : memref<640xi32, #tpu.memory_space<hbm>>) target(%arg5 : memref<640xi32, #tpu.memory_space<vmem>>) target_semaphore(%run_scoped3A : memref<!tpu.dma_semaphore, #tpu.memory_space<semaphore_mem>>)
        %dma_wait3A_18 = tpu.memref_slice %arg2[%add3A_11] : memref<40960xi32, #tpu.memory_space<hbm>> -> memref<640xi32, #tpu.memory_space<hbm>>
        %dma_wait3A_19 = tpu.memref_slice %arg2[%add3A_11] : memref<40960xi32, #tpu.memory_space<hbm>> -> memref<640xi32, #tpu.memory_space<hbm>>
        tpu.wait_dma2 semaphore(%run_scoped3A : memref<!tpu.dma_semaphore, #tpu.memory_space<semaphore_mem>>) src(%dma_wait3A_19 : memref<640xi32, #tpu.memory_space<hbm>>) dst(%arg5 : memref<640xi32, #tpu.memory_space<vmem>>)
        tpu.yield
      }) : () -> ()
      %dma_start3A = arith.constant 0 : i32
      %dma_start3A_12 = arith.constant 0 : i32
      %dma_start3A_13 = tpu.memref_slice %arg3[%dma_start3A, %dma_start3A_12] : memref<200000x64xf32, #tpu.memory_space<hbm>> -> memref<200000x64xf32, #tpu.memory_space<hbm>>
      tpu.enqueue_indirect_dma source(%dma_start3A_13 : memref<200000x64xf32, #tpu.memory_space<hbm>>) target(%arg6 : memref<640x64xf32, #tpu.memory_space<vmem>>) offsets(%arg5 : memref<640xi32, #tpu.memory_space<vmem>>) semaphore(%arg7 : memref<!tpu.dma_semaphore, #tpu.memory_space<semaphore_mem>>)
      %dma_wait3A = arith.constant 0 : i32
      %dma_wait3A_14 = arith.constant 0 : i32
      %dma_wait3A_15 = tpu.memref_slice %arg3[%dma_wait3A, %dma_wait3A_14] : memref<200000x64xf32, #tpu.memory_space<hbm>> -> memref<200000x64xf32, #tpu.memory_space<hbm>>
      tpu.wait_indirect_dma semaphore(%arg7 : memref<!tpu.dma_semaphore, #tpu.memory_space<semaphore_mem>>) src(%dma_wait3A_15 : memref<200000x64xf32, #tpu.memory_space<hbm>>) dst(%arg6 : memref<640x64xf32, #tpu.memory_space<vmem>>)
      "tpu.region"() ({
        %run_scoped3A = tpu.sem_alloc : memref<!tpu.dma_semaphore, #tpu.memory_space<semaphore_mem>>
        %dma_start3A_16 = arith.constant 0 : i32
        %dma_start3A_17 = tpu.memref_slice %arg4[%add3A_11, %dma_start3A_16] : memref<40960x128xf32, #tpu.memory_space<hbm>> -> memref<640x64xf32, #tpu.memory_space<hbm>>
        %dma_start3A_18 = arith.constant 0 : i32
        %dma_start3A_19 = tpu.memref_slice %arg4[%add3A_11, %dma_start3A_18] : memref<40960x128xf32, #tpu.memory_space<hbm>> -> memref<640x64xf32, #tpu.memory_space<hbm>>
        tpu.enqueue_dma source(%arg6 : memref<640x64xf32, #tpu.memory_space<vmem>>) target(%dma_start3A_19 : memref<640x64xf32, #tpu.memory_space<hbm>>) target_semaphore(%run_scoped3A : memref<!tpu.dma_semaphore, #tpu.memory_space<semaphore_mem>>)
        %dma_wait3A_20 = arith.constant 0 : i32
        %dma_wait3A_21 = tpu.memref_slice %arg4[%add3A_11, %dma_wait3A_20] : memref<40960x128xf32, #tpu.memory_space<hbm>> -> memref<640x64xf32, #tpu.memory_space<hbm>>
        %dma_wait3A_22 = arith.constant 0 : i32
        %dma_wait3A_23 = tpu.memref_slice %arg4[%add3A_11, %dma_wait3A_22] : memref<40960x128xf32, #tpu.memory_space<hbm>> -> memref<640x64xf32, #tpu.memory_space<hbm>>
        tpu.wait_dma2 semaphore(%run_scoped3A : memref<!tpu.dma_semaphore, #tpu.memory_space<semaphore_mem>>) src(%arg6 : memref<640x64xf32, #tpu.memory_space<vmem>>) dst(%dma_wait3A_23 : memref<640x64xf32, #tpu.memory_space<hbm>>)
        tpu.yield
      }) : () -> ()
    }
    %scan3A_7 = arith.constant 2 : i32
    return
  }
}

module attributes {stable_mosaic.version = 14 : i64} {
  func.func @_tc_body(%arg0: i32, %arg1: memref<4096x128xf32, #tpu.memory_space<vmem>>, %arg2: memref<1x16x4096xf32, #tpu.memory_space<vmem>>, %arg3: memref<16x64xf32, #tpu.memory_space<vmem>>, %arg4: memref<1x64xf32, #tpu.memory_space<vmem>>, %arg5: memref<128x128xf32, #tpu.memory_space<vmem>>, %arg6: memref<1x128xf32, #tpu.memory_space<vmem>>, %arg7: memref<1x4096x128xf32, #tpu.memory_space<vmem>>) attributes {dimension_semantics = [#tpu.dimension_semantics<arbitrary>], iteration_bounds = array<i64: 10>, scalar_prefetch = 0 : i64, scratch_operands = 0 : i64, tpu.core_type = #tpu.core_type<tc>, window_params = [{transform_indices = @transform_0, window_bounds = array<i64: 4096, 128>}, {transform_indices = @transform_1, window_bounds = array<i64: 1, 16, 4096>}, {pipeline_mode = #tpu.pipeline_mode<synchronous>, transform_indices = @transform_2, window_bounds = array<i64: 16, 64>}, {pipeline_mode = #tpu.pipeline_mode<synchronous>, transform_indices = @transform_3, window_bounds = array<i64: 1, 64>}, {pipeline_mode = #tpu.pipeline_mode<synchronous>, transform_indices = @transform_4, window_bounds = array<i64: 128, 128>}, {pipeline_mode = #tpu.pipeline_mode<synchronous>, transform_indices = @transform_5, window_bounds = array<i64: 1, 128>}, {transform_indices = @transform_6, window_bounds = array<i64: 1, 4096, 128>}]} {
    %get3A = arith.constant 0 : index
    %get3A_0 = arith.constant 0 : index
    %get3A_1 = arith.constant 0 : index
    %get3A_2 = vector.load %arg2[%get3A, %get3A_0, %get3A_1] : memref<1x16x4096xf32, #tpu.memory_space<vmem>>, vector<1x16x4096xf32>
    %reshape3A = vector.shape_cast %get3A_2 : vector<1x16x4096xf32> to vector<16x4096xf32>
    %transpose3A = tpu.transpose %reshape3A, [1, 0] : vector<16x4096xf32> -> vector<4096x16xf32>
    %get3A_3 = arith.constant 0 : index
    %get3A_4 = arith.constant 0 : index
    %get3A_5 = vector.load %arg3[%get3A_3, %get3A_4] : memref<16x64xf32, #tpu.memory_space<vmem>>, vector<16x64xf32>
    %dot_general3A = arith.constant dense<0.000000e+00> : vector<4096x64xf32>
    %dot_general3A_6 = tpu.matmul %transpose3A, %get3A_5, %dot_general3A {dimension_numbers = #tpu.dot_dimension_numbers<[1], [0], [0], [1], [0, 0, 1, 1], [], []>, transpose_lhs_hint = false} : vector<4096x16xf32>, vector<16x64xf32>, vector<4096x64xf32> -> vector<4096x64xf32>
    %get3A_7 = arith.constant 0 : index
    %get3A_8 = arith.constant 0 : index
    %get3A_9 = vector.load %arg4[%get3A_7, %get3A_8] : memref<1x64xf32, #tpu.memory_space<vmem>>, vector<1x64xf32>
    %add3A = vector.broadcast %get3A_9 : vector<1x64xf32> to vector<4096x64xf32>
    %add3A_10 = arith.addf %dot_general3A_6, %add3A : vector<4096x64xf32>
    %mul3A = arith.constant 5.000000e-01 : f32
    %mul3A_11 = vector.broadcast %mul3A : f32 to vector<4096x64xf32>
    %mul3A_12 = arith.mulf %mul3A_11, %add3A_10 : vector<4096x64xf32>
    %mul3A_13 = arith.constant 0.707106769 : f32
    %mul3A_14 = vector.broadcast %mul3A_13 : f32 to vector<4096x64xf32>
    %mul3A_15 = arith.mulf %add3A_10, %mul3A_14 : vector<4096x64xf32>
    %erf3A = math.erf %mul3A_15 : vector<4096x64xf32>
    %add3A_16 = arith.constant 1.000000e+00 : f32
    %add3A_17 = vector.broadcast %add3A_16 : f32 to vector<4096x64xf32>
    %add3A_18 = arith.addf %add3A_17, %erf3A : vector<4096x64xf32>
    %mul3A_19 = arith.mulf %mul3A_12, %add3A_18 : vector<4096x64xf32>
    %get3A_20 = arith.constant 0 : index
    %get3A_21 = arith.constant 0 : index
    %get3A_22 = vector.load %arg1[%get3A_20, %get3A_21] : memref<4096x128xf32, #tpu.memory_space<vmem>>, vector<4096x128xf32>
    %slice3A = vector.extract_strided_slice %get3A_22 {offsets = [0, 0], sizes = [4096, 64], strides = [1, 1]} : vector<4096x128xf32> to vector<4096x64xf32>
    %get3A_23 = arith.constant 0 : index
    %get3A_24 = arith.constant 0 : index
    %get3A_25 = vector.load %arg5[%get3A_23, %get3A_24] : memref<128x128xf32, #tpu.memory_space<vmem>>, vector<64x128xf32>
    %dot_general3A_26 = arith.constant dense<0.000000e+00> : vector<4096x128xf32>
    %dot_general3A_27 = tpu.matmul %slice3A, %get3A_25, %dot_general3A_26 {dimension_numbers = #tpu.dot_dimension_numbers<[1], [0], [0], [1], [0, 0, 1, 1], [], []>, transpose_lhs_hint = false} : vector<4096x64xf32>, vector<64x128xf32>, vector<4096x128xf32> -> vector<4096x128xf32>
    %get3A_28 = arith.constant 64 : index
    %get3A_29 = arith.constant 0 : index
    %get3A_30 = vector.load %arg5[%get3A_28, %get3A_29] : memref<128x128xf32, #tpu.memory_space<vmem>>, vector<64x128xf32>
    %dot_general3A_31 = arith.constant dense<0.000000e+00> : vector<4096x128xf32>
    %dot_general3A_32 = tpu.matmul %mul3A_19, %get3A_30, %dot_general3A_31 {dimension_numbers = #tpu.dot_dimension_numbers<[1], [0], [0], [1], [0, 0, 1, 1], [], []>, transpose_lhs_hint = false} : vector<4096x64xf32>, vector<64x128xf32>, vector<4096x128xf32> -> vector<4096x128xf32>
    %add3A_33 = arith.addf %dot_general3A_27, %dot_general3A_32 : vector<4096x128xf32>
    %get3A_34 = arith.constant 0 : index
    %get3A_35 = arith.constant 0 : index
    %get3A_36 = vector.load %arg6[%get3A_34, %get3A_35] : memref<1x128xf32, #tpu.memory_space<vmem>>, vector<1x128xf32>
    %add3A_37 = vector.broadcast %get3A_36 : vector<1x128xf32> to vector<4096x128xf32>
    %add3A_38 = arith.addf %add3A_33, %add3A_37 : vector<4096x128xf32>
    %reshape3A_39 = vector.shape_cast %add3A_38 : vector<4096x128xf32> to vector<1x4096x128xf32>
    %swap3A = arith.constant 0 : index
    %swap3A_40 = arith.constant 0 : index
    %swap3A_41 = arith.constant 0 : index
    %swap3A_42 = vector.load %arg7[%swap3A, %swap3A_40, %swap3A_41] : memref<1x4096x128xf32, #tpu.memory_space<vmem>>, vector<1x4096x128xf32>
    tpu.vector_store %arg7[%swap3A, %swap3A_40, %swap3A_41], %reshape3A_39 {strides = array<i32>} : memref<1x4096x128xf32, #tpu.memory_space<vmem>>, vector<1x4096x128xf32>,
    return
  }
  func.func @transform_0(%arg0: i32) -> (i32, i32) {
    %c0_i32 = arith.constant 0 : i32
    %c0_i32_0 = arith.constant 0 : i32
    return %arg0, %c0_i32 : i32, i32
  }
  func.func @transform_1(%arg0: i32) -> (i32, i32, i32) {
    %add3A = arith.constant 0 : i32
    %add3A_0 = arith.addi %add3A, %arg0 : i32
    %c0_i32 = arith.constant 0 : i32
    %c0_i32_1 = arith.constant 0 : i32
    %c0_i32_2 = arith.constant 0 : i32
    return %add3A_0, %c0_i32, %c0_i32_1 : i32, i32, i32
  }
  func.func @transform_2(%arg0: i32) -> (i32, i32) {
    %c0_i32 = arith.constant 0 : i32
    %c0_i32_0 = arith.constant 0 : i32
    %c0_i32_1 = arith.constant 0 : i32
    return %c0_i32, %c0_i32_0 : i32, i32
  }
  func.func @transform_3(%arg0: i32) -> (i32, i32) {
    %c0_i32 = arith.constant 0 : i32
    %c0_i32_0 = arith.constant 0 : i32
    %c0_i32_1 = arith.constant 0 : i32
    return %c0_i32, %c0_i32_0 : i32, i32
  }
  func.func @transform_4(%arg0: i32) -> (i32, i32) {
    %c0_i32 = arith.constant 0 : i32
    %c0_i32_0 = arith.constant 0 : i32
    %c0_i32_1 = arith.constant 0 : i32
    return %c0_i32, %c0_i32_0 : i32, i32
  }
  func.func @transform_5(%arg0: i32) -> (i32, i32) {
    %c0_i32 = arith.constant 0 : i32
    %c0_i32_0 = arith.constant 0 : i32
    %c0_i32_1 = arith.constant 0 : i32
    return %c0_i32, %c0_i32_0 : i32, i32
  }
  func.func @transform_6(%arg0: i32) -> (i32, i32, i32) {
    %add3A = arith.constant 0 : i32
    %add3A_0 = arith.addi %add3A, %arg0 : i32
    %c0_i32 = arith.constant 0 : i32
    %c0_i32_1 = arith.constant 0 : i32
    %c0_i32_2 = arith.constant 0 : i32
    return %add3A_0, %c0_i32, %c0_i32_1 : i32, i32, i32
  }
}

module attributes {stable_mosaic.version = 14 : i64} {
  func.func @_tc_body(%arg0: i32, %arg1: memref<4096x128xf32, #tpu.memory_space<vmem>>, %arg2: memref<1x16x4096xf32, #tpu.memory_space<vmem>>, %arg3: memref<16x64xf32, #tpu.memory_space<vmem>>, %arg4: memref<1x64xf32, #tpu.memory_space<vmem>>, %arg5: memref<128x128xf32, #tpu.memory_space<vmem>>, %arg6: memref<1x128xf32, #tpu.memory_space<vmem>>, %arg7: memref<50x4096x128xf32, #tpu.memory_space<any>>, %arg8: memref<1x4096x128xf32, #tpu.memory_space<vmem>>) attributes {dimension_semantics = [#tpu.dimension_semantics<arbitrary>], iteration_bounds = array<i64: 10>, scalar_prefetch = 0 : i64, scratch_operands = 0 : i64, tpu.core_type = #tpu.core_type<tc>, window_params = [{transform_indices = @transform_0, window_bounds = array<i64: 4096, 128>}, {transform_indices = @transform_1, window_bounds = array<i64: 1, 16, 4096>}, {pipeline_mode = #tpu.pipeline_mode<synchronous>, transform_indices = @transform_2, window_bounds = array<i64: 16, 64>}, {pipeline_mode = #tpu.pipeline_mode<synchronous>, transform_indices = @transform_3, window_bounds = array<i64: 1, 64>}, {pipeline_mode = #tpu.pipeline_mode<synchronous>, transform_indices = @transform_4, window_bounds = array<i64: 128, 128>}, {pipeline_mode = #tpu.pipeline_mode<synchronous>, transform_indices = @transform_5, window_bounds = array<i64: 1, 128>}, {}, {transform_indices = @transform_7, window_bounds = array<i64: 1, 4096, 128>}]} {
    %get3A = arith.constant 0 : index
    %get3A_0 = arith.constant 0 : index
    %get3A_1 = arith.constant 0 : index
    %get3A_2 = vector.load %arg2[%get3A, %get3A_0, %get3A_1] : memref<1x16x4096xf32, #tpu.memory_space<vmem>>, vector<1x16x4096xf32>
    %reshape3A = vector.shape_cast %get3A_2 : vector<1x16x4096xf32> to vector<16x4096xf32>
    %transpose3A = tpu.transpose %reshape3A, [1, 0] : vector<16x4096xf32> -> vector<4096x16xf32>
    %get3A_3 = arith.constant 0 : index
    %get3A_4 = arith.constant 0 : index
    %get3A_5 = vector.load %arg3[%get3A_3, %get3A_4] : memref<16x64xf32, #tpu.memory_space<vmem>>, vector<16x64xf32>
    %dot_general3A = arith.constant dense<0.000000e+00> : vector<4096x64xf32>
    %dot_general3A_6 = tpu.matmul %transpose3A, %get3A_5, %dot_general3A {dimension_numbers = #tpu.dot_dimension_numbers<[1], [0], [0], [1], [0, 0, 1, 1], [], []>, transpose_lhs_hint = false} : vector<4096x16xf32>, vector<16x64xf32>, vector<4096x64xf32> -> vector<4096x64xf32>
    %get3A_7 = arith.constant 0 : index
    %get3A_8 = arith.constant 0 : index
    %get3A_9 = vector.load %arg4[%get3A_7, %get3A_8] : memref<1x64xf32, #tpu.memory_space<vmem>>, vector<1x64xf32>
    %add3A = vector.broadcast %get3A_9 : vector<1x64xf32> to vector<4096x64xf32>
    %add3A_10 = arith.addf %dot_general3A_6, %add3A : vector<4096x64xf32>
    %mul3A = arith.constant 5.000000e-01 : f32
    %mul3A_11 = vector.broadcast %mul3A : f32 to vector<4096x64xf32>
    %mul3A_12 = arith.mulf %mul3A_11, %add3A_10 : vector<4096x64xf32>
    %mul3A_13 = arith.constant 0.707106769 : f32
    %mul3A_14 = vector.broadcast %mul3A_13 : f32 to vector<4096x64xf32>
    %mul3A_15 = arith.mulf %add3A_10, %mul3A_14 : vector<4096x64xf32>
    %erf3A = math.erf %mul3A_15 : vector<4096x64xf32>
    %add3A_16 = arith.constant 1.000000e+00 : f32
    %add3A_17 = vector.broadcast %add3A_16 : f32 to vector<4096x64xf32>
    %add3A_18 = arith.addf %add3A_17, %erf3A : vector<4096x64xf32>
    %mul3A_19 = arith.mulf %mul3A_12, %add3A_18 : vector<4096x64xf32>
    %get3A_20 = arith.constant 0 : index
    %get3A_21 = arith.constant 0 : index
    %get3A_22 = vector.load %arg1[%get3A_20, %get3A_21] : memref<4096x128xf32, #tpu.memory_space<vmem>>, vector<4096x128xf32>
    %slice3A = vector.extract_strided_slice %get3A_22 {offsets = [0, 0], sizes = [4096, 64], strides = [1, 1]} : vector<4096x128xf32> to vector<4096x64xf32>
    %get3A_23 = arith.constant 0 : index
    %get3A_24 = arith.constant 0 : index
    %get3A_25 = vector.load %arg5[%get3A_23, %get3A_24] : memref<128x128xf32, #tpu.memory_space<vmem>>, vector<64x128xf32>
    %dot_general3A_26 = arith.constant dense<0.000000e+00> : vector<4096x128xf32>
    %dot_general3A_27 = tpu.matmul %slice3A, %get3A_25, %dot_general3A_26 {dimension_numbers = #tpu.dot_dimension_numbers<[1], [0], [0], [1], [0, 0, 1, 1], [], []>, transpose_lhs_hint = false} : vector<4096x64xf32>, vector<64x128xf32>, vector<4096x128xf32> -> vector<4096x128xf32>
    %get3A_28 = arith.constant 64 : index
    %get3A_29 = arith.constant 0 : index
    %get3A_30 = vector.load %arg5[%get3A_28, %get3A_29] : memref<128x128xf32, #tpu.memory_space<vmem>>, vector<64x128xf32>
    %dot_general3A_31 = arith.constant dense<0.000000e+00> : vector<4096x128xf32>
    %dot_general3A_32 = tpu.matmul %mul3A_19, %get3A_30, %dot_general3A_31 {dimension_numbers = #tpu.dot_dimension_numbers<[1], [0], [0], [1], [0, 0, 1, 1], [], []>, transpose_lhs_hint = false} : vector<4096x64xf32>, vector<64x128xf32>, vector<4096x128xf32> -> vector<4096x128xf32>
    %add3A_33 = arith.addf %dot_general3A_27, %dot_general3A_32 : vector<4096x128xf32>
    %get3A_34 = arith.constant 0 : index
    %get3A_35 = arith.constant 0 : index
    %get3A_36 = vector.load %arg6[%get3A_34, %get3A_35] : memref<1x128xf32, #tpu.memory_space<vmem>>, vector<1x128xf32>
    %add3A_37 = vector.broadcast %get3A_36 : vector<1x128xf32> to vector<4096x128xf32>
    %add3A_38 = arith.addf %add3A_33, %add3A_37 : vector<4096x128xf32>
    %reshape3A_39 = vector.shape_cast %add3A_38 : vector<4096x128xf32> to vector<1x4096x128xf32>
    %swap3A = arith.constant 0 : index
    %swap3A_40 = arith.constant 0 : index
    %swap3A_41 = arith.constant 0 : index
    %swap3A_42 = vector.load %arg8[%swap3A, %swap3A_40, %swap3A_41] : memref<1x4096x128xf32, #tpu.memory_space<vmem>>, vector<1x4096x128xf32>
    tpu.vector_store %arg8[%swap3A, %swap3A_40, %swap3A_41], %reshape3A_39 {strides = array<i32>} : memref<1x4096x128xf32, #tpu.memory_space<vmem>>, vector<1x4096x128xf32>,
    return
  }
  func.func @transform_0(%arg0: i32) -> (i32, i32) {
    %c0_i32 = arith.constant 0 : i32
    %c0_i32_0 = arith.constant 0 : i32
    return %arg0, %c0_i32 : i32, i32
  }
  func.func @transform_1(%arg0: i32) -> (i32, i32, i32) {
    %add3A = arith.constant 10 : i32
    %add3A_0 = arith.addi %add3A, %arg0 : i32
    %c0_i32 = arith.constant 0 : i32
    %c0_i32_1 = arith.constant 0 : i32
    %c0_i32_2 = arith.constant 0 : i32
    return %add3A_0, %c0_i32, %c0_i32_1 : i32, i32, i32
  }
  func.func @transform_2(%arg0: i32) -> (i32, i32) {
    %c0_i32 = arith.constant 0 : i32
    %c0_i32_0 = arith.constant 0 : i32
    %c0_i32_1 = arith.constant 0 : i32
    return %c0_i32, %c0_i32_0 : i32, i32
  }
  func.func @transform_3(%arg0: i32) -> (i32, i32) {
    %c0_i32 = arith.constant 0 : i32
    %c0_i32_0 = arith.constant 0 : i32
    %c0_i32_1 = arith.constant 0 : i32
    return %c0_i32, %c0_i32_0 : i32, i32
  }
  func.func @transform_4(%arg0: i32) -> (i32, i32) {
    %c0_i32 = arith.constant 0 : i32
    %c0_i32_0 = arith.constant 0 : i32
    %c0_i32_1 = arith.constant 0 : i32
    return %c0_i32, %c0_i32_0 : i32, i32
  }
  func.func @transform_5(%arg0: i32) -> (i32, i32) {
    %c0_i32 = arith.constant 0 : i32
    %c0_i32_0 = arith.constant 0 : i32
    %c0_i32_1 = arith.constant 0 : i32
    return %c0_i32, %c0_i32_0 : i32, i32
  }
  func.func @transform_7(%arg0: i32) -> (i32, i32, i32) {
    %add3A = arith.constant 10 : i32
    %add3A_0 = arith.addi %add3A, %arg0 : i32
    %c0_i32 = arith.constant 0 : i32
    %c0_i32_1 = arith.constant 0 : i32
    %c0_i32_2 = arith.constant 0 : i32
    return %add3A_0, %c0_i32, %c0_i32_1 : i32, i32, i32
  }
}

module attributes {stable_mosaic.version = 14 : i64} {
  func.func @_tc_body(%arg0: i32, %arg1: memref<4096x128xf32, #tpu.memory_space<vmem>>, %arg2: memref<1x16x4096xf32, #tpu.memory_space<vmem>>, %arg3: memref<16x64xf32, #tpu.memory_space<vmem>>, %arg4: memref<1x64xf32, #tpu.memory_space<vmem>>, %arg5: memref<128x128xf32, #tpu.memory_space<vmem>>, %arg6: memref<1x128xf32, #tpu.memory_space<vmem>>, %arg7: memref<50x4096x128xf32, #tpu.memory_space<any>>, %arg8: memref<1x4096x128xf32, #tpu.memory_space<vmem>>) attributes {dimension_semantics = [#tpu.dimension_semantics<arbitrary>], iteration_bounds = array<i64: 10>, scalar_prefetch = 0 : i64, scratch_operands = 0 : i64, tpu.core_type = #tpu.core_type<tc>, window_params = [{transform_indices = @transform_0, window_bounds = array<i64: 4096, 128>}, {transform_indices = @transform_1, window_bounds = array<i64: 1, 16, 4096>}, {pipeline_mode = #tpu.pipeline_mode<synchronous>, transform_indices = @transform_2, window_bounds = array<i64: 16, 64>}, {pipeline_mode = #tpu.pipeline_mode<synchronous>, transform_indices = @transform_3, window_bounds = array<i64: 1, 64>}, {pipeline_mode = #tpu.pipeline_mode<synchronous>, transform_indices = @transform_4, window_bounds = array<i64: 128, 128>}, {pipeline_mode = #tpu.pipeline_mode<synchronous>, transform_indices = @transform_5, window_bounds = array<i64: 1, 128>}, {}, {transform_indices = @transform_7, window_bounds = array<i64: 1, 4096, 128>}]} {
    %get3A = arith.constant 0 : index
    %get3A_0 = arith.constant 0 : index
    %get3A_1 = arith.constant 0 : index
    %get3A_2 = vector.load %arg2[%get3A, %get3A_0, %get3A_1] : memref<1x16x4096xf32, #tpu.memory_space<vmem>>, vector<1x16x4096xf32>
    %reshape3A = vector.shape_cast %get3A_2 : vector<1x16x4096xf32> to vector<16x4096xf32>
    %transpose3A = tpu.transpose %reshape3A, [1, 0] : vector<16x4096xf32> -> vector<4096x16xf32>
    %get3A_3 = arith.constant 0 : index
    %get3A_4 = arith.constant 0 : index
    %get3A_5 = vector.load %arg3[%get3A_3, %get3A_4] : memref<16x64xf32, #tpu.memory_space<vmem>>, vector<16x64xf32>
    %dot_general3A = arith.constant dense<0.000000e+00> : vector<4096x64xf32>
    %dot_general3A_6 = tpu.matmul %transpose3A, %get3A_5, %dot_general3A {dimension_numbers = #tpu.dot_dimension_numbers<[1], [0], [0], [1], [0, 0, 1, 1], [], []>, transpose_lhs_hint = false} : vector<4096x16xf32>, vector<16x64xf32>, vector<4096x64xf32> -> vector<4096x64xf32>
    %get3A_7 = arith.constant 0 : index
    %get3A_8 = arith.constant 0 : index
    %get3A_9 = vector.load %arg4[%get3A_7, %get3A_8] : memref<1x64xf32, #tpu.memory_space<vmem>>, vector<1x64xf32>
    %add3A = vector.broadcast %get3A_9 : vector<1x64xf32> to vector<4096x64xf32>
    %add3A_10 = arith.addf %dot_general3A_6, %add3A : vector<4096x64xf32>
    %mul3A = arith.constant 5.000000e-01 : f32
    %mul3A_11 = vector.broadcast %mul3A : f32 to vector<4096x64xf32>
    %mul3A_12 = arith.mulf %mul3A_11, %add3A_10 : vector<4096x64xf32>
    %mul3A_13 = arith.constant 0.707106769 : f32
    %mul3A_14 = vector.broadcast %mul3A_13 : f32 to vector<4096x64xf32>
    %mul3A_15 = arith.mulf %add3A_10, %mul3A_14 : vector<4096x64xf32>
    %erf3A = math.erf %mul3A_15 : vector<4096x64xf32>
    %add3A_16 = arith.constant 1.000000e+00 : f32
    %add3A_17 = vector.broadcast %add3A_16 : f32 to vector<4096x64xf32>
    %add3A_18 = arith.addf %add3A_17, %erf3A : vector<4096x64xf32>
    %mul3A_19 = arith.mulf %mul3A_12, %add3A_18 : vector<4096x64xf32>
    %get3A_20 = arith.constant 0 : index
    %get3A_21 = arith.constant 0 : index
    %get3A_22 = vector.load %arg1[%get3A_20, %get3A_21] : memref<4096x128xf32, #tpu.memory_space<vmem>>, vector<4096x128xf32>
    %slice3A = vector.extract_strided_slice %get3A_22 {offsets = [0, 0], sizes = [4096, 64], strides = [1, 1]} : vector<4096x128xf32> to vector<4096x64xf32>
    %get3A_23 = arith.constant 0 : index
    %get3A_24 = arith.constant 0 : index
    %get3A_25 = vector.load %arg5[%get3A_23, %get3A_24] : memref<128x128xf32, #tpu.memory_space<vmem>>, vector<64x128xf32>
    %dot_general3A_26 = arith.constant dense<0.000000e+00> : vector<4096x128xf32>
    %dot_general3A_27 = tpu.matmul %slice3A, %get3A_25, %dot_general3A_26 {dimension_numbers = #tpu.dot_dimension_numbers<[1], [0], [0], [1], [0, 0, 1, 1], [], []>, transpose_lhs_hint = false} : vector<4096x64xf32>, vector<64x128xf32>, vector<4096x128xf32> -> vector<4096x128xf32>
    %get3A_28 = arith.constant 64 : index
    %get3A_29 = arith.constant 0 : index
    %get3A_30 = vector.load %arg5[%get3A_28, %get3A_29] : memref<128x128xf32, #tpu.memory_space<vmem>>, vector<64x128xf32>
    %dot_general3A_31 = arith.constant dense<0.000000e+00> : vector<4096x128xf32>
    %dot_general3A_32 = tpu.matmul %mul3A_19, %get3A_30, %dot_general3A_31 {dimension_numbers = #tpu.dot_dimension_numbers<[1], [0], [0], [1], [0, 0, 1, 1], [], []>, transpose_lhs_hint = false} : vector<4096x64xf32>, vector<64x128xf32>, vector<4096x128xf32> -> vector<4096x128xf32>
    %add3A_33 = arith.addf %dot_general3A_27, %dot_general3A_32 : vector<4096x128xf32>
    %get3A_34 = arith.constant 0 : index
    %get3A_35 = arith.constant 0 : index
    %get3A_36 = vector.load %arg6[%get3A_34, %get3A_35] : memref<1x128xf32, #tpu.memory_space<vmem>>, vector<1x128xf32>
    %add3A_37 = vector.broadcast %get3A_36 : vector<1x128xf32> to vector<4096x128xf32>
    %add3A_38 = arith.addf %add3A_33, %add3A_37 : vector<4096x128xf32>
    %reshape3A_39 = vector.shape_cast %add3A_38 : vector<4096x128xf32> to vector<1x4096x128xf32>
    %swap3A = arith.constant 0 : index
    %swap3A_40 = arith.constant 0 : index
    %swap3A_41 = arith.constant 0 : index
    %swap3A_42 = vector.load %arg8[%swap3A, %swap3A_40, %swap3A_41] : memref<1x4096x128xf32, #tpu.memory_space<vmem>>, vector<1x4096x128xf32>
    tpu.vector_store %arg8[%swap3A, %swap3A_40, %swap3A_41], %reshape3A_39 {strides = array<i32>} : memref<1x4096x128xf32, #tpu.memory_space<vmem>>, vector<1x4096x128xf32>,
    return
  }
  func.func @transform_0(%arg0: i32) -> (i32, i32) {
    %c0_i32 = arith.constant 0 : i32
    %c0_i32_0 = arith.constant 0 : i32
    return %arg0, %c0_i32 : i32, i32
  }
  func.func @transform_1(%arg0: i32) -> (i32, i32, i32) {
    %add3A = arith.constant 20 : i32
    %add3A_0 = arith.addi %add3A, %arg0 : i32
    %c0_i32 = arith.constant 0 : i32
    %c0_i32_1 = arith.constant 0 : i32
    %c0_i32_2 = arith.constant 0 : i32
    return %add3A_0, %c0_i32, %c0_i32_1 : i32, i32, i32
  }
  func.func @transform_2(%arg0: i32) -> (i32, i32) {
    %c0_i32 = arith.constant 0 : i32
    %c0_i32_0 = arith.constant 0 : i32
    %c0_i32_1 = arith.constant 0 : i32
    return %c0_i32, %c0_i32_0 : i32, i32
  }
  func.func @transform_3(%arg0: i32) -> (i32, i32) {
    %c0_i32 = arith.constant 0 : i32
    %c0_i32_0 = arith.constant 0 : i32
    %c0_i32_1 = arith.constant 0 : i32
    return %c0_i32, %c0_i32_0 : i32, i32
  }
  func.func @transform_4(%arg0: i32) -> (i32, i32) {
    %c0_i32 = arith.constant 0 : i32
    %c0_i32_0 = arith.constant 0 : i32
    %c0_i32_1 = arith.constant 0 : i32
    return %c0_i32, %c0_i32_0 : i32, i32
  }
  func.func @transform_5(%arg0: i32) -> (i32, i32) {
    %c0_i32 = arith.constant 0 : i32
    %c0_i32_0 = arith.constant 0 : i32
    %c0_i32_1 = arith.constant 0 : i32
    return %c0_i32, %c0_i32_0 : i32, i32
  }
  func.func @transform_7(%arg0: i32) -> (i32, i32, i32) {
    %add3A = arith.constant 20 : i32
    %add3A_0 = arith.addi %add3A, %arg0 : i32
    %c0_i32 = arith.constant 0 : i32
    %c0_i32_1 = arith.constant 0 : i32
    %c0_i32_2 = arith.constant 0 : i32
    return %add3A_0, %c0_i32, %c0_i32_1 : i32, i32, i32
  }
}

module attributes {stable_mosaic.version = 14 : i64} {
  func.func @_tc_body(%arg0: i32, %arg1: memref<4096x128xf32, #tpu.memory_space<vmem>>, %arg2: memref<1x16x4096xf32, #tpu.memory_space<vmem>>, %arg3: memref<16x64xf32, #tpu.memory_space<vmem>>, %arg4: memref<1x64xf32, #tpu.memory_space<vmem>>, %arg5: memref<128x128xf32, #tpu.memory_space<vmem>>, %arg6: memref<1x128xf32, #tpu.memory_space<vmem>>, %arg7: memref<50x4096x128xf32, #tpu.memory_space<any>>, %arg8: memref<1x4096x128xf32, #tpu.memory_space<vmem>>) attributes {dimension_semantics = [#tpu.dimension_semantics<arbitrary>], iteration_bounds = array<i64: 10>, scalar_prefetch = 0 : i64, scratch_operands = 0 : i64, tpu.core_type = #tpu.core_type<tc>, window_params = [{transform_indices = @transform_0, window_bounds = array<i64: 4096, 128>}, {transform_indices = @transform_1, window_bounds = array<i64: 1, 16, 4096>}, {pipeline_mode = #tpu.pipeline_mode<synchronous>, transform_indices = @transform_2, window_bounds = array<i64: 16, 64>}, {pipeline_mode = #tpu.pipeline_mode<synchronous>, transform_indices = @transform_3, window_bounds = array<i64: 1, 64>}, {pipeline_mode = #tpu.pipeline_mode<synchronous>, transform_indices = @transform_4, window_bounds = array<i64: 128, 128>}, {pipeline_mode = #tpu.pipeline_mode<synchronous>, transform_indices = @transform_5, window_bounds = array<i64: 1, 128>}, {}, {transform_indices = @transform_7, window_bounds = array<i64: 1, 4096, 128>}]} {
    %get3A = arith.constant 0 : index
    %get3A_0 = arith.constant 0 : index
    %get3A_1 = arith.constant 0 : index
    %get3A_2 = vector.load %arg2[%get3A, %get3A_0, %get3A_1] : memref<1x16x4096xf32, #tpu.memory_space<vmem>>, vector<1x16x4096xf32>
    %reshape3A = vector.shape_cast %get3A_2 : vector<1x16x4096xf32> to vector<16x4096xf32>
    %transpose3A = tpu.transpose %reshape3A, [1, 0] : vector<16x4096xf32> -> vector<4096x16xf32>
    %get3A_3 = arith.constant 0 : index
    %get3A_4 = arith.constant 0 : index
    %get3A_5 = vector.load %arg3[%get3A_3, %get3A_4] : memref<16x64xf32, #tpu.memory_space<vmem>>, vector<16x64xf32>
    %dot_general3A = arith.constant dense<0.000000e+00> : vector<4096x64xf32>
    %dot_general3A_6 = tpu.matmul %transpose3A, %get3A_5, %dot_general3A {dimension_numbers = #tpu.dot_dimension_numbers<[1], [0], [0], [1], [0, 0, 1, 1], [], []>, transpose_lhs_hint = false} : vector<4096x16xf32>, vector<16x64xf32>, vector<4096x64xf32> -> vector<4096x64xf32>
    %get3A_7 = arith.constant 0 : index
    %get3A_8 = arith.constant 0 : index
    %get3A_9 = vector.load %arg4[%get3A_7, %get3A_8] : memref<1x64xf32, #tpu.memory_space<vmem>>, vector<1x64xf32>
    %add3A = vector.broadcast %get3A_9 : vector<1x64xf32> to vector<4096x64xf32>
    %add3A_10 = arith.addf %dot_general3A_6, %add3A : vector<4096x64xf32>
    %mul3A = arith.constant 5.000000e-01 : f32
    %mul3A_11 = vector.broadcast %mul3A : f32 to vector<4096x64xf32>
    %mul3A_12 = arith.mulf %mul3A_11, %add3A_10 : vector<4096x64xf32>
    %mul3A_13 = arith.constant 0.707106769 : f32
    %mul3A_14 = vector.broadcast %mul3A_13 : f32 to vector<4096x64xf32>
    %mul3A_15 = arith.mulf %add3A_10, %mul3A_14 : vector<4096x64xf32>
    %erf3A = math.erf %mul3A_15 : vector<4096x64xf32>
    %add3A_16 = arith.constant 1.000000e+00 : f32
    %add3A_17 = vector.broadcast %add3A_16 : f32 to vector<4096x64xf32>
    %add3A_18 = arith.addf %add3A_17, %erf3A : vector<4096x64xf32>
    %mul3A_19 = arith.mulf %mul3A_12, %add3A_18 : vector<4096x64xf32>
    %get3A_20 = arith.constant 0 : index
    %get3A_21 = arith.constant 0 : index
    %get3A_22 = vector.load %arg1[%get3A_20, %get3A_21] : memref<4096x128xf32, #tpu.memory_space<vmem>>, vector<4096x128xf32>
    %slice3A = vector.extract_strided_slice %get3A_22 {offsets = [0, 0], sizes = [4096, 64], strides = [1, 1]} : vector<4096x128xf32> to vector<4096x64xf32>
    %get3A_23 = arith.constant 0 : index
    %get3A_24 = arith.constant 0 : index
    %get3A_25 = vector.load %arg5[%get3A_23, %get3A_24] : memref<128x128xf32, #tpu.memory_space<vmem>>, vector<64x128xf32>
    %dot_general3A_26 = arith.constant dense<0.000000e+00> : vector<4096x128xf32>
    %dot_general3A_27 = tpu.matmul %slice3A, %get3A_25, %dot_general3A_26 {dimension_numbers = #tpu.dot_dimension_numbers<[1], [0], [0], [1], [0, 0, 1, 1], [], []>, transpose_lhs_hint = false} : vector<4096x64xf32>, vector<64x128xf32>, vector<4096x128xf32> -> vector<4096x128xf32>
    %get3A_28 = arith.constant 64 : index
    %get3A_29 = arith.constant 0 : index
    %get3A_30 = vector.load %arg5[%get3A_28, %get3A_29] : memref<128x128xf32, #tpu.memory_space<vmem>>, vector<64x128xf32>
    %dot_general3A_31 = arith.constant dense<0.000000e+00> : vector<4096x128xf32>
    %dot_general3A_32 = tpu.matmul %mul3A_19, %get3A_30, %dot_general3A_31 {dimension_numbers = #tpu.dot_dimension_numbers<[1], [0], [0], [1], [0, 0, 1, 1], [], []>, transpose_lhs_hint = false} : vector<4096x64xf32>, vector<64x128xf32>, vector<4096x128xf32> -> vector<4096x128xf32>
    %add3A_33 = arith.addf %dot_general3A_27, %dot_general3A_32 : vector<4096x128xf32>
    %get3A_34 = arith.constant 0 : index
    %get3A_35 = arith.constant 0 : index
    %get3A_36 = vector.load %arg6[%get3A_34, %get3A_35] : memref<1x128xf32, #tpu.memory_space<vmem>>, vector<1x128xf32>
    %add3A_37 = vector.broadcast %get3A_36 : vector<1x128xf32> to vector<4096x128xf32>
    %add3A_38 = arith.addf %add3A_33, %add3A_37 : vector<4096x128xf32>
    %reshape3A_39 = vector.shape_cast %add3A_38 : vector<4096x128xf32> to vector<1x4096x128xf32>
    %swap3A = arith.constant 0 : index
    %swap3A_40 = arith.constant 0 : index
    %swap3A_41 = arith.constant 0 : index
    %swap3A_42 = vector.load %arg8[%swap3A, %swap3A_40, %swap3A_41] : memref<1x4096x128xf32, #tpu.memory_space<vmem>>, vector<1x4096x128xf32>
    tpu.vector_store %arg8[%swap3A, %swap3A_40, %swap3A_41], %reshape3A_39 {strides = array<i32>} : memref<1x4096x128xf32, #tpu.memory_space<vmem>>, vector<1x4096x128xf32>,
    return
  }
  func.func @transform_0(%arg0: i32) -> (i32, i32) {
    %c0_i32 = arith.constant 0 : i32
    %c0_i32_0 = arith.constant 0 : i32
    return %arg0, %c0_i32 : i32, i32
  }
  func.func @transform_1(%arg0: i32) -> (i32, i32, i32) {
    %add3A = arith.constant 30 : i32
    %add3A_0 = arith.addi %add3A, %arg0 : i32
    %c0_i32 = arith.constant 0 : i32
    %c0_i32_1 = arith.constant 0 : i32
    %c0_i32_2 = arith.constant 0 : i32
    return %add3A_0, %c0_i32, %c0_i32_1 : i32, i32, i32
  }
  func.func @transform_2(%arg0: i32) -> (i32, i32) {
    %c0_i32 = arith.constant 0 : i32
    %c0_i32_0 = arith.constant 0 : i32
    %c0_i32_1 = arith.constant 0 : i32
    return %c0_i32, %c0_i32_0 : i32, i32
  }
  func.func @transform_3(%arg0: i32) -> (i32, i32) {
    %c0_i32 = arith.constant 0 : i32
    %c0_i32_0 = arith.constant 0 : i32
    %c0_i32_1 = arith.constant 0 : i32
    return %c0_i32, %c0_i32_0 : i32, i32
  }
  func.func @transform_4(%arg0: i32) -> (i32, i32) {
    %c0_i32 = arith.constant 0 : i32
    %c0_i32_0 = arith.constant 0 : i32
    %c0_i32_1 = arith.constant 0 : i32
    return %c0_i32, %c0_i32_0 : i32, i32
  }
  func.func @transform_5(%arg0: i32) -> (i32, i32) {
    %c0_i32 = arith.constant 0 : i32
    %c0_i32_0 = arith.constant 0 : i32
    %c0_i32_1 = arith.constant 0 : i32
    return %c0_i32, %c0_i32_0 : i32, i32
  }
  func.func @transform_7(%arg0: i32) -> (i32, i32, i32) {
    %add3A = arith.constant 30 : i32
    %add3A_0 = arith.addi %add3A, %arg0 : i32
    %c0_i32 = arith.constant 0 : i32
    %c0_i32_1 = arith.constant 0 : i32
    %c0_i32_2 = arith.constant 0 : i32
    return %add3A_0, %c0_i32, %c0_i32_1 : i32, i32, i32
  }
}

module attributes {stable_mosaic.version = 14 : i64} {
  func.func @_tc_body(%arg0: i32, %arg1: memref<4096x128xf32, #tpu.memory_space<vmem>>, %arg2: memref<1x16x4096xf32, #tpu.memory_space<vmem>>, %arg3: memref<16x64xf32, #tpu.memory_space<vmem>>, %arg4: memref<1x64xf32, #tpu.memory_space<vmem>>, %arg5: memref<128x128xf32, #tpu.memory_space<vmem>>, %arg6: memref<1x128xf32, #tpu.memory_space<vmem>>, %arg7: memref<50x4096x128xf32, #tpu.memory_space<any>>, %arg8: memref<1x4096x128xf32, #tpu.memory_space<vmem>>) attributes {dimension_semantics = [#tpu.dimension_semantics<arbitrary>], iteration_bounds = array<i64: 10>, scalar_prefetch = 0 : i64, scratch_operands = 0 : i64, tpu.core_type = #tpu.core_type<tc>, window_params = [{transform_indices = @transform_0, window_bounds = array<i64: 4096, 128>}, {transform_indices = @transform_1, window_bounds = array<i64: 1, 16, 4096>}, {pipeline_mode = #tpu.pipeline_mode<synchronous>, transform_indices = @transform_2, window_bounds = array<i64: 16, 64>}, {pipeline_mode = #tpu.pipeline_mode<synchronous>, transform_indices = @transform_3, window_bounds = array<i64: 1, 64>}, {pipeline_mode = #tpu.pipeline_mode<synchronous>, transform_indices = @transform_4, window_bounds = array<i64: 128, 128>}, {pipeline_mode = #tpu.pipeline_mode<synchronous>, transform_indices = @transform_5, window_bounds = array<i64: 1, 128>}, {}, {transform_indices = @transform_7, window_bounds = array<i64: 1, 4096, 128>}]} {
    %get3A = arith.constant 0 : index
    %get3A_0 = arith.constant 0 : index
    %get3A_1 = arith.constant 0 : index
    %get3A_2 = vector.load %arg2[%get3A, %get3A_0, %get3A_1] : memref<1x16x4096xf32, #tpu.memory_space<vmem>>, vector<1x16x4096xf32>
    %reshape3A = vector.shape_cast %get3A_2 : vector<1x16x4096xf32> to vector<16x4096xf32>
    %transpose3A = tpu.transpose %reshape3A, [1, 0] : vector<16x4096xf32> -> vector<4096x16xf32>
    %get3A_3 = arith.constant 0 : index
    %get3A_4 = arith.constant 0 : index
    %get3A_5 = vector.load %arg3[%get3A_3, %get3A_4] : memref<16x64xf32, #tpu.memory_space<vmem>>, vector<16x64xf32>
    %dot_general3A = arith.constant dense<0.000000e+00> : vector<4096x64xf32>
    %dot_general3A_6 = tpu.matmul %transpose3A, %get3A_5, %dot_general3A {dimension_numbers = #tpu.dot_dimension_numbers<[1], [0], [0], [1], [0, 0, 1, 1], [], []>, transpose_lhs_hint = false} : vector<4096x16xf32>, vector<16x64xf32>, vector<4096x64xf32> -> vector<4096x64xf32>
    %get3A_7 = arith.constant 0 : index
    %get3A_8 = arith.constant 0 : index
    %get3A_9 = vector.load %arg4[%get3A_7, %get3A_8] : memref<1x64xf32, #tpu.memory_space<vmem>>, vector<1x64xf32>
    %add3A = vector.broadcast %get3A_9 : vector<1x64xf32> to vector<4096x64xf32>
    %add3A_10 = arith.addf %dot_general3A_6, %add3A : vector<4096x64xf32>
    %mul3A = arith.constant 5.000000e-01 : f32
    %mul3A_11 = vector.broadcast %mul3A : f32 to vector<4096x64xf32>
    %mul3A_12 = arith.mulf %mul3A_11, %add3A_10 : vector<4096x64xf32>
    %mul3A_13 = arith.constant 0.707106769 : f32
    %mul3A_14 = vector.broadcast %mul3A_13 : f32 to vector<4096x64xf32>
    %mul3A_15 = arith.mulf %add3A_10, %mul3A_14 : vector<4096x64xf32>
    %erf3A = math.erf %mul3A_15 : vector<4096x64xf32>
    %add3A_16 = arith.constant 1.000000e+00 : f32
    %add3A_17 = vector.broadcast %add3A_16 : f32 to vector<4096x64xf32>
    %add3A_18 = arith.addf %add3A_17, %erf3A : vector<4096x64xf32>
    %mul3A_19 = arith.mulf %mul3A_12, %add3A_18 : vector<4096x64xf32>
    %get3A_20 = arith.constant 0 : index
    %get3A_21 = arith.constant 0 : index
    %get3A_22 = vector.load %arg1[%get3A_20, %get3A_21] : memref<4096x128xf32, #tpu.memory_space<vmem>>, vector<4096x128xf32>
    %slice3A = vector.extract_strided_slice %get3A_22 {offsets = [0, 0], sizes = [4096, 64], strides = [1, 1]} : vector<4096x128xf32> to vector<4096x64xf32>
    %get3A_23 = arith.constant 0 : index
    %get3A_24 = arith.constant 0 : index
    %get3A_25 = vector.load %arg5[%get3A_23, %get3A_24] : memref<128x128xf32, #tpu.memory_space<vmem>>, vector<64x128xf32>
    %dot_general3A_26 = arith.constant dense<0.000000e+00> : vector<4096x128xf32>
    %dot_general3A_27 = tpu.matmul %slice3A, %get3A_25, %dot_general3A_26 {dimension_numbers = #tpu.dot_dimension_numbers<[1], [0], [0], [1], [0, 0, 1, 1], [], []>, transpose_lhs_hint = false} : vector<4096x64xf32>, vector<64x128xf32>, vector<4096x128xf32> -> vector<4096x128xf32>
    %get3A_28 = arith.constant 64 : index
    %get3A_29 = arith.constant 0 : index
    %get3A_30 = vector.load %arg5[%get3A_28, %get3A_29] : memref<128x128xf32, #tpu.memory_space<vmem>>, vector<64x128xf32>
    %dot_general3A_31 = arith.constant dense<0.000000e+00> : vector<4096x128xf32>
    %dot_general3A_32 = tpu.matmul %mul3A_19, %get3A_30, %dot_general3A_31 {dimension_numbers = #tpu.dot_dimension_numbers<[1], [0], [0], [1], [0, 0, 1, 1], [], []>, transpose_lhs_hint = false} : vector<4096x64xf32>, vector<64x128xf32>, vector<4096x128xf32> -> vector<4096x128xf32>
    %add3A_33 = arith.addf %dot_general3A_27, %dot_general3A_32 : vector<4096x128xf32>
    %get3A_34 = arith.constant 0 : index
    %get3A_35 = arith.constant 0 : index
    %get3A_36 = vector.load %arg6[%get3A_34, %get3A_35] : memref<1x128xf32, #tpu.memory_space<vmem>>, vector<1x128xf32>
    %add3A_37 = vector.broadcast %get3A_36 : vector<1x128xf32> to vector<4096x128xf32>
    %add3A_38 = arith.addf %add3A_33, %add3A_37 : vector<4096x128xf32>
    %reshape3A_39 = vector.shape_cast %add3A_38 : vector<4096x128xf32> to vector<1x4096x128xf32>
    %swap3A = arith.constant 0 : index
    %swap3A_40 = arith.constant 0 : index
    %swap3A_41 = arith.constant 0 : index
    %swap3A_42 = vector.load %arg8[%swap3A, %swap3A_40, %swap3A_41] : memref<1x4096x128xf32, #tpu.memory_space<vmem>>, vector<1x4096x128xf32>
    tpu.vector_store %arg8[%swap3A, %swap3A_40, %swap3A_41], %reshape3A_39 {strides = array<i32>} : memref<1x4096x128xf32, #tpu.memory_space<vmem>>, vector<1x4096x128xf32>,
    return
  }
  func.func @transform_0(%arg0: i32) -> (i32, i32) {
    %c0_i32 = arith.constant 0 : i32
    %c0_i32_0 = arith.constant 0 : i32
    return %arg0, %c0_i32 : i32, i32
  }
  func.func @transform_1(%arg0: i32) -> (i32, i32, i32) {
    %add3A = arith.constant 40 : i32
    %add3A_0 = arith.addi %add3A, %arg0 : i32
    %c0_i32 = arith.constant 0 : i32
    %c0_i32_1 = arith.constant 0 : i32
    %c0_i32_2 = arith.constant 0 : i32
    return %add3A_0, %c0_i32, %c0_i32_1 : i32, i32, i32
  }
  func.func @transform_2(%arg0: i32) -> (i32, i32) {
    %c0_i32 = arith.constant 0 : i32
    %c0_i32_0 = arith.constant 0 : i32
    %c0_i32_1 = arith.constant 0 : i32
    return %c0_i32, %c0_i32_0 : i32, i32
  }
  func.func @transform_3(%arg0: i32) -> (i32, i32) {
    %c0_i32 = arith.constant 0 : i32
    %c0_i32_0 = arith.constant 0 : i32
    %c0_i32_1 = arith.constant 0 : i32
    return %c0_i32, %c0_i32_0 : i32, i32
  }
  func.func @transform_4(%arg0: i32) -> (i32, i32) {
    %c0_i32 = arith.constant 0 : i32
    %c0_i32_0 = arith.constant 0 : i32
    %c0_i32_1 = arith.constant 0 : i32
    return %c0_i32, %c0_i32_0 : i32, i32
  }
  func.func @transform_5(%arg0: i32) -> (i32, i32) {
    %c0_i32 = arith.constant 0 : i32
    %c0_i32_0 = arith.constant 0 : i32
    %c0_i32_1 = arith.constant 0 : i32
    return %c0_i32, %c0_i32_0 : i32, i32
  }
  func.func @transform_7(%arg0: i32) -> (i32, i32, i32) {
    %add3A = arith.constant 40 : i32
    %add3A_0 = arith.addi %add3A, %arg0 : i32
    %c0_i32 = arith.constant 0 : i32
    %c0_i32_1 = arith.constant 0 : i32
    %c0_i32_2 = arith.constant 0 : i32
    return %add3A_0, %c0_i32, %c0_i32_1 : i32, i32, i32
  }
}

</mosaic_0001>

<sc_bundles>
// kernel: kernel.12.cloned.1.call-start
scs
__scs_entry_jumppad:
0x0: {  	(pc) =	sbr.rel $0x88, $3  }
0x1: {  	(tag) =	ssettag $0x0;
	lr =	simm.s32 $0x1  }
0x2: {  	[smem:$0x3F9A] =	sst lr;
	_ =	strace $0xD0000000  }
0x3: {  	_ = 	snop  }
0x4: {  	_ = 	snop  }
0x5: {  	_ = 	snop  }
0x6: {  	_ = 	snop  }
0x7: {  	_ = 	snop  }
__scs_overlays_trampoline_lowered:
0x8: {  	[smem:$0x3FA9] =	sst s0  }
0x9: {  	[smem:$0x3FAA] =	sst s1  }
0xa: {  	[smem:$0x3FAB] =	sst s2  }
0xb: {  	[smem:$0x3FAC] =	sst s3  }
0xc: {  	[smem:$0x3FAD] =	sst s4  }
0xd: {  	[smem:$0x3FAE] =	sst s5  }
0xe: {  	[smem:$0x3FAF] =	sst s6  }
0xf: {  	[smem:$0x3FB0] =	sst s7  }
0x10: {  	[smem:$0x3FB1] =	sst s8  }
0x11: {  	[smem:$0x3FB2] =	sst s9;
	s0 =	simm.s32 @!p0 $0x0  }
0x12: {  	s1 =	sld [smem:$0x3F98];
	s0 =	simm.s32 @p0 $0x1  }
0x13: {  	[smem:$0x3FB3] =	sst s0;
	s0 =	simm.s32 @!p1 $0x0  }
0x14: {  	s2 =	sld [smem:$0x3F97];
	s0 =	simm.s32 @p1 $0x1  }
0x15: {  	[smem:$0x3FB4] =	sst s0;
	s0 =	simm.s32 @!p2 $0x0  }
0x16: {  	s3 =	sld [smem:$0x3FDB];
	s0 =	simm.s32 @p2 $0x1  }
0x17: {  	s4 =	simm.s32 $0x1BF5;
	[smem:$0x3FB6] =	sst s0  }
0x18: {  	s0 =	sld [smem:$0x3F99];
	_ =	swait.ge [sflag:s4], $0x0  }
0x19: {  	s7 =	sld [smem:$0x3F9A]  }
0x1a: {  	s8 =	sadd.s32 $0xFFFFE003, lr  }
0x1b: {  	s9 =	sadd.s32 $0xFFFFFEF7, lr;
	s5 =	simm.s32 $0xFFFFFFFF;
	p2 =	slt.u32 s8, $0xFFFFF086  }
0x1c: {  	p1 =	slt.u32 s9, $0xF7A;
	s5 =	simm.s32 @!p2 $0x0  }
0x1d: {  	s5 =	simm.s32 @p1 $0x1;
	p0 =	seq.s32 s7, s2  }
0x1e: {  	s7 =	smul.u32 @!p0 $0xF7A, s2;
	p2 =	seq.s32 @!p0 s5, $0x0  }
0x1f: {  	s9 =	smul.u32 $0xF7A, s1;
	s8 =	simm.s32 @!p0 $0x1BF5;
	p2 =	por !p2, p0  }
0x20: {  	[sflag:s8] =	ssyncset.s32 @!p0 $0xFFFFF086;
	s6 =	sadd.s32 @!p0 s3, s7;
	s7 =	simm.s32 @!p0 $0x108  }
0x21: {  	s3 =	sadd.s32 s3, s9;
	s6 =	sadd.s32 @!p0 $0x88, s6;
	s7 =	simm.s32 @p2 $0x1082  }
0x22: {  	[simem:s7], [sflag:s8] =	dma.local @!p0 [hbm:s6], $0xF7A  }
0x23: {  	s9 =	sor.u32 $0xD0000000, s2;
	s6 =	simm.s32 $0x108;
	_ =	swait.ge @!p0 [sflag:s8], $0x0  }
0x24: {  	s3 =	sadd.s32 $0x88, s3;
	s6 =	simm.s32 @!p1 $0x1082;
	[sflag:s4] =	ssyncset.s32 $0xFFFFF086  }
0x25: {  	[simem:s6], [sflag:s4] =	dma.local [hbm:s3], $0xF7A  }
0x26: {  	[smem:$0x3F9A] =	sst s1;
	(tag) =	ssettag s2;
	_ =	strace s9  }
0x27: {  	s1 =	sld [smem:$0x3FAA]  }
0x28: {  	s2 =	sld [smem:$0x3FAB]  }
0x29: {  	s4 =	sld [smem:$0x3FAD]  }
0x2a: {  	p0 =	seq.s32 s5, $0x0;
	s5 =	sld [smem:$0x3FAE]  }
0x2b: {  	s6 =	sld [smem:$0x3FAF]  }
0x2c: {  	s7 =	sld [smem:$0x3FB0]  }
0x2d: {  	s3 =	simm.s32 $0x108;
	s8 =	sld [smem:$0x3FB1]  }
0x2e: {  	s3 =	simm.s32 @!p0 $0x1082;
	s9 =	sld [smem:$0x3FB2]  }
0x2f: {  	lr =	sadd.s32 s0, s3;
	s0 =	sld [smem:$0x3FA9]  }
0x30: {  	s3 =	sld [smem:$0x3FAC]  }
0x31: {  	[smem:$0x3FB5] =	sst s10  }
0x32: {  	s10 =	sld [smem:$0x3FB3];
	_ =	sdelay $0x3  }
0x33: {  	p0 =	seq.s32 s10, $0x1;
	s10 =	sld [smem:$0x3FB5];
	_ =	sdelay $0x3  }
0x34: {  	[smem:$0x3FB5] =	sst s10  }
0x35: {  	s10 =	sld [smem:$0x3FB4];
	_ =	sdelay $0x3  }
0x36: {  	p1 =	seq.s32 s10, $0x1;
	s10 =	sld [smem:$0x3FB5];
	_ =	sdelay $0x3  }
0x37: {  	[smem:$0x3FB5] =	sst s10  }
0x38: {  	s10 =	sld [smem:$0x3FB6]  }
0x39: {  	_ = 	snop;
	(pc) =	sbr.ind lr, $3  }
0x3a: {  	_ = 	snop  }
0x3b: {  	_ = 	snop  }
0x3c: {  	p2 =	seq.s32 s10, $0x1;
	s10 =	sld [smem:$0x3FB5]  }
0x3d: {  	_ =	shalt  }
0x3e: {  	_ =	shalt  }
0x3f: {  	_ =	shalt  }
0x40: {  	_ =	shalt  }
0x41: {  	_ =	shalt  }
0x42: {  	_ =	shalt  }
0x43: {  	_ =	shalt  }
0x44: {  	_ =	shalt  }
0x45: {  	_ =	shalt  }
0x46: {  	_ =	shalt  }
0x47: {  	_ =	shalt  }
0x48: {  	_ =	shalt  }
0x49: {  	_ =	shalt  }
0x4a: {  	_ =	shalt  }
0x4b: {  	_ =	shalt  }
0x4c: {  	_ =	shalt  }
0x4d: {  	_ =	shalt  }
0x4e: {  	_ =	shalt  }
0x4f: {  	_ =	shalt  }
0x50: {  	_ =	shalt  }
0x51: {  	_ =	shalt  }
0x52: {  	_ =	shalt  }
0x53: {  	_ =	shalt  }
0x54: {  	_ =	shalt  }
0x55: {  	_ =	shalt  }
0x56: {  	_ =	shalt  }
0x57: {  	_ =	shalt  }
0x58: {  	_ =	shalt  }
0x59: {  	_ =	shalt  }
0x5a: {  	_ =	shalt  }
0x5b: {  	_ =	shalt  }
0x5c: {  	_ =	shalt  }
0x5d: {  	_ =	shalt  }
0x5e: {  	_ =	shalt  }
0x5f: {  	_ =	shalt  }
0x60: {  	_ =	shalt  }
0x61: {  	_ =	shalt  }
0x62: {  	_ =	shalt  }
0x63: {  	_ =	shalt  }
0x64: {  	_ =	shalt  }
0x65: {  	_ =	shalt  }
0x66: {  	_ =	shalt  }
0x67: {  	_ =	shalt  }
0x68: {  	_ =	shalt  }
0x69: {  	_ =	shalt  }
0x6a: {  	_ =	shalt  }
0x6b: {  	_ =	shalt  }
0x6c: {  	_ =	shalt  }
0x6d: {  	_ =	shalt  }
0x6e: {  	_ =	shalt  }
0x6f: {  	_ =	shalt  }
0x70: {  	_ =	shalt  }
0x71: {  	_ =	shalt  }
0x72: {  	_ =	shalt  }
0x73: {  	_ =	shalt  }
0x74: {  	_ =	shalt  }
0x75: {  	_ =	shalt  }
0x76: {  	_ =	shalt  }
0x77: {  	_ =	shalt  }
0x78: {  	_ =	shalt  }
0x79: {  	_ =	shalt  }
0x7a: {  	_ =	shalt  }
0x7b: {  	_ =	shalt  }
0x7c: {  	_ =	shalt  }
0x7d: {  	_ =	shalt  }
0x7e: {  	_ =	shalt  }
0x7f: {  	_ =	shalt  }
0x80: {  	_ =	shalt  }
0x81: {  	_ =	shalt  }
0x82: {  	_ =	shalt  }
0x83: {  	_ =	shalt  }
0x84: {  	_ =	shalt  }
0x85: {  	_ =	shalt  }
0x86: {  	_ =	shalt  }
0x87: {  	_ =	shalt  }
.Lfunc_end0:
.L_simem_size_0:
called_computation_lowered:
.L_overlay_start_0:
0x88: {  	s2 =	sld [smem:$0x3FD9]  }
0x89: {  	s3 =	sld [smem:$0x3FFE];
	_ =	sdelay $0x1  }
0x8a: {  	s1 =	srdreg.scid  }
0x8b: {  	s0 =	sand.u32 $0x1, s1  }
0x8c: {  	s16 =	sshll.u32 s0, $0xA;
	s2 =	sadd.s32 s3, s2  }
0x8d: {  	s2 =	sadd.s32 s2, s16  }
0x8e: {  	[smem:$0x3FC1] =	sst s2  }
0x8f: {  	_ = 	snop  }
0x90: {  	(tm) =	ssettm $0x1  }
0x91: {  	s17 =	sld [smem:$0x3FFB];
	_ =	sdelay $0x3  }
0x92: {  	_ =	strace s17  }
0x93: {  	s2 =	sld [smem:$0x3FFC];
	_ =	sdelay $0x3  }
0x94: {  	_ =	strace s2  }
0x95: {  	s2 =	sld [smem:$0x3FFD];
	_ =	sdelay $0x3  }
0x96: {  	_ =	strace s2  }
0x97: {  	_ =	strace $0x8FFFFFFF  }
0x98: {  	s18 =	sld [smem:$0x3FDB];
	_ =	sdelay $0x1  }
0x99: {  	s19 =	simm.s32 $_scs_section_size  }
0x9a: {  	s4 =	simm.s32 $_size__tile_overlayer_lowered;
	s5 =	simm.s32 $_tile_overlayer_lowered  }
0x9b: {  	s22 =	simm.s32 $0x1BFF;
	s21 =	sshll.u32 s5, $0x1;
	s2 =	sadd.s32 s19, s18  }
0x9c: {  	s6 =	simm.s32 $0x0;
	s20 =	sshll.u32 s4, $0x1;
	s4 =	sadd.s32 s21, s2  }
0x9d: {  	[timem:s6], [sflag:s22] =	dma.local [hbm:s4], s20  }
0x9e: {  	_ =	swait.ge [sflag:s22], s20  }
0x9f: {  	s3 =	ssub.s32 $0x0, s20;
	[sflag:s22] =	ssyncset.done $0x0  }
0xa0: {  	[sflag:s22] =	ssyncadd.s32 s3;
	_ =	sdelay $0x1  }
0xa1: {  	s23 =	simm.s32 $0x1B8B  }
0xa2: {  	_ =	swait.ge [sflag:s23], $0x1  }
0xa3: {  	[sflag:s23] =	ssyncset.done $0x0  }
0xa4: {  	s25 =	simm.s32 $0x1B8E;
	s24 =	sld [smem:$0x3FFE];
	[sflag:s23] =	ssyncadd.s32 $0xFFFFFFFF  }
0xa5: {  	s26 =	simm.s32 $execute0_lowered;
	[smem:$0x3FD2] =	sst s25  }
0xa6: {  	s4 =	sshll.u32 s26, $0x1;
	_ =	strace $0x80000046;
	[dreg:$0x1] =	wrdreg $0xFFFFFFFF  }
0xa7: {  	s28 =	simm.s32 $_size_execute0_lowered;
	s2 =	sadd.s32 s2, s4;
	[dreg:$0x0] =	wrdreg $0x0  }
0xa8: {  	s4 =	sshll.u32 s28, $0x1;
	[dreg:$0x2] =	wrdreg s2  }
0xa9: {  	[dreg:$0x3] =	wrdreg s4  }
0xaa: {  	[dreg:$0x4] =	wrdreg $0xC0  }
0xab: {  	_ =	task [dreg:s6], $0x5FFFF  }
0xac: {  	[dreg:$0x1] =	wrdreg $0xFFFFFFFF  }
0xad: {  	[dreg:$0x0] =	wrdreg $0x60  }
0xae: {  	[dreg:$0x2] =	wrdreg s24  }
0xaf: {  	[dreg:$0x3] =	wrdreg $0x9  }
0xb0: {  	_ =	task.clear_ibuf [dreg:s6], $0x4FFFF;
	_ =	strace $0x90000046  }
0xb1: {  	s29 =	simm.s32 $0x9;
	_ =	strace $0x80000048  }
0xb2: {  	_ =	swait.ge [sflag:s29], $0x1  }
0xb3: {  	[sflag:s29] =	ssyncadd.s32 $0xFFFFFFFF  }
0xb4: {  	_ =	strace $0x90000048  }
0xb5: {  	_ =	sfence  }
0xb6: {  	s30 =	sld [smem:$0x0];
	_ =	sdelay $0x2  }
0xb7: {  	s31 =	sshll.u32 s1, $0xD;
	s1 =	sshrl.u32 s1, $0x2  }
0xb8: {  	s3 =	sand.u32 $0x4000, s31;
	s1 =	sadd.s32 s1, s30  }
0xb9: {  	s0 =	sor.u32 s3, s0;
	s1 =	sshll.u32 s1, $0x11  }
0xba: {  	s0 =	sor.u32 s1, s0  }
0xbb: {  	s0 =	sadd.s32 $0x8F2B, s0  }
0xbc: {  	[sflag:s0] =	ssyncadd.remote.s32 $0x1  }
0xbd: {  	_ =	sfence.sel $0xFFFF  }
0xbe: {  	[dreg:$0x0] =	wrdreg $0xFFFFFFFF;
	(pc) =	sbr.abs _section_cstart, $3  }
0xbf: {  	[dreg:$0x1] =	wrdreg $0xFFFFFFFF  }
0xc0: {  	_ =	task.clear_ibuf [dreg:s6], $0x2FFFF;
	_ =	strace $0x9FFFFFFF  }
0xc1: {  	(tm) =	ssettm $0x7FFFFFFF  }
tec
execute0_lowered:
.L_overlay_start_1:
0x0: {  	(tag) =	ssettag $0x1  }
0x1: {  	s1 =	srdreg.scid;
	s0 =	stileid.u32  }
0x2: {  	s12 =	sand.u32 $0x1, s1;
	s29 =	sshll.u32 s0, $0x1  }
0x3: {  	s6 =	sor.u32 s12, s29  }
0x4: {  	s8 =	rddreg [dreg:$0x0];
	s11 =	smul.u32 $0x500, s6  }
0x5: {  	s2 =	simm.s32 $0x0;
	s1 =	rddreg [dreg:$0x1]  }
0x6: {  	[smem:$0x7FF] =	sst s2;
	s13 =	sadd.s32 $0x2C00, s8;
	s3 =	sshrl.u32 s11, $0x3  }
0x7: {  	_ =	strace $0x80000047;
	s4 =	sadd.s32 s13, s3;
	s3 =	simm.s32 $0x2  }
0x8: {  	[tilespmem:s2], [sflag:$0x2] =	stream.linear.gather [hbm4b:s4+s2], $0x280, $0x38;
	[tilespmem:$0xA280] =	vst v63  }
0x9: {  	_ =	swait.ge [sflag:s3], $0x280  }
0xa: {  	s7 =	simm.s32 $0x1;
	s5 =	sadd.s32 $0x4000, s8;
	[sflag:s3] =	ssyncset.done $0x0  }
0xb: {  	s9 =	smul.u32 $0x5000, s6;
	s6 =	simm.s32 $0x280;
	[sflag:s3] =	ssyncadd.s32 $0xFFFFFD80  }
0xc: {  	[tilespmem:s6], [sflag:$0x1] =	stream.indirect.gather [hbm4b:s5+s6], $0x40, s2, s6, $0xb8;
	[tilespmem:$0xA280] =	vst v63  }
0xd: {  	_ =	swait.ge [sflag:s7], $0xA000  }
0xe: {  	s10 =	simm.s32 $0x80;
	s14 =	sadd.s32 $0x18AA00, s8;
	[sflag:s7] =	ssyncset.done $0x0  }
0xf: {  	s8 =	sadd.s32 s14, s9;
	s9 =	simm.s32 $0x40;
	[sflag:s7] =	ssyncadd.s32 $0xFFFF6000  }
0x10: {  	[hbm4b:s8+s9] =	stream.strided.scatter [tilespmem:s6], [sflag:$0x2], $0xA000, s10, s9, $0x38;
	[tilespmem:$0xA280] =	vst v63  }
0x11: {  	s15 =	sadd.s32 $0x280, s11;
	_ =	swait.ge [sflag:s3], $0xA000  }
0x12: {  	s11 =	sshrl.u32 s15, $0x3;
	[sflag:s3] =	ssyncset.done $0x0  }
0x13: {  	s12 =	ssub.s32 $0x2, s12;
	s11 =	sadd.s32 s13, s11;
	[sflag:s3] =	ssyncadd.s32 $0xFFFF6000  }
0x14: {  	[tilespmem:s2], [sflag:$0x2] =	stream.linear.gather [hbm4b:s11+s2], $0x280, $0x38;
	[tilespmem:$0xA280] =	vst v63  }
0x15: {  	s30 =	sshrl.u32 s12, $0x1;
	_ =	swait.ge [sflag:s3], $0x280  }
0x16: {  	s13 =	ssub.s32 s12, s30;
	[sflag:s3] =	ssyncset.done $0x0  }
0x17: {  	s13 =	smax.u32 s13, $0x1;
	[sflag:s3] =	ssyncadd.s32 $0xFFFFFD80  }
0x18: {  	[tilespmem:s6], [sflag:$0x1] =	stream.indirect.gather [hbm4b:s5+s6], $0x40, s2, s6, $0xb8;
	[tilespmem:$0xA280] =	vst v63  }
0x19: {  	p0 =	sne.s32 s13, $0x1;
	_ =	swait.ge [sflag:s7], $0xA000  }
.Ltmp0:
0x1a: {  	s31 =	sshll.u32 s15, $0x4;
	[sflag:s7] =	ssyncset.done $0x0;
	(pc) =	sbr.rel @!p0 .LBB2_2-.Ltmp0, $4  }
0x1b: {  	s12 =	sadd.s32 s14, s31;
	[sflag:s7] =	ssyncadd.s32 $0xFFFF6000  }
0x1c: {  	[hbm4b:s12+s9] =	stream.strided.scatter [tilespmem:s6], [sflag:$0x2], $0xA000, s10, s9, $0x38;
	[tilespmem:$0xA280] =	vst v63  }
0x1d: {  	_ =	swait.ge [sflag:s3], $0xA000  }
0x1e: {  	s13 =	sadd.s32 $0xFFFFFFFF, s13;
	[sflag:s3] =	ssyncset.done $0x0  }
.LBB2_1:
0x1f: {  	p0 =	sne.s32 s13, $0x1;
	s13 =	sadd.s32 $0xFFFFFFFF, s13;
	[sflag:s3] =	ssyncadd.s32 $0xFFFF6000  }
0x20: {  	[tilespmem:s2], [sflag:$0x2] =	stream.linear.gather [hbm4b:s4+s2], $0x280, $0x38;
	[tilespmem:$0xA280] =	vst v63  }
0x21: {  	_ =	swait.ge [sflag:s3], $0x280  }
0x22: {  	[sflag:s3] =	ssyncset.done $0x0  }
0x23: {  	[sflag:s3] =	ssyncadd.s32 $0xFFFFFD80  }
0x24: {  	[tilespmem:s6], [sflag:$0x1] =	stream.indirect.gather [hbm4b:s5+s6], $0x40, s2, s6, $0xb8;
	[tilespmem:$0xA280] =	vst v63  }
0x25: {  	_ =	swait.ge [sflag:s7], $0xA000  }
0x26: {  	[sflag:s7] =	ssyncset.done $0x0  }
0x27: {  	[sflag:s7] =	ssyncadd.s32 $0xFFFF6000  }
0x28: {  	[hbm4b:s8+s9] =	stream.strided.scatter [tilespmem:s6], [sflag:$0x2], $0xA000, s10, s9, $0x38;
	[tilespmem:$0xA280] =	vst v63  }
0x29: {  	_ =	swait.ge [sflag:s3], $0xA000  }
0x2a: {  	[sflag:s3] =	ssyncset.done $0x0  }
0x2b: {  	[sflag:s3] =	ssyncadd.s32 $0xFFFF6000  }
0x2c: {  	[tilespmem:s2], [sflag:$0x2] =	stream.linear.gather [hbm4b:s11+s2], $0x280, $0x38;
	[tilespmem:$0xA280] =	vst v63  }
0x2d: {  	_ =	swait.ge [sflag:s3], $0x280  }
0x2e: {  	[sflag:s3] =	ssyncset.done $0x0  }
0x2f: {  	[sflag:s3] =	ssyncadd.s32 $0xFFFFFD80  }
0x30: {  	[tilespmem:s6], [sflag:$0x1] =	stream.indirect.gather [hbm4b:s5+s6], $0x40, s2, s6, $0xb8;
	[tilespmem:$0xA280] =	vst v63  }
0x31: {  	_ =	swait.ge [sflag:s7], $0xA000  }
.Ltmp1:
0x32: {  	[sflag:s7] =	ssyncset.done $0x0;
	(pc) =	sbr.rel @p0 .LBB2_1-.Ltmp1, $4  }
0x33: {  	[sflag:s7] =	ssyncadd.s32 $0xFFFF6000  }
0x34: {  	[hbm4b:s12+s9] =	stream.strided.scatter [tilespmem:s6], [sflag:$0x2], $0xA000, s10, s9, $0x38;
	[tilespmem:$0xA280] =	vst v63  }
0x35: {  	_ =	swait.ge [sflag:s3], $0xA000  }
0x36: {  	[sflag:s3] =	ssyncset.done $0x0  }
.LBB2_2:
0x37: {  	[sflag:s3] =	ssyncadd.s32 $0xFFFF6000  }
0x38: {  	_ =	sfence.sel $0x180000  }
0x39: {  	[bflag:$0x0] =	sbarrier.arrive $0xFFFF  }
0x3a: {  	p0 =	sne.s32 s0, $0x0;
	_ =	strace $0x90000047  }
0x3b: {  	s0 =	sadd.s32 @!p0 $0x100000, s1;
	[bflag:$0x2] =	sbarrier.arrive $0xFFFF  }
0x3c: {  	[sflag:s0] =	ssyncadd.tile.s32 @!p0 $0x1;
	_ =	shalt  }
.Lfunc_end2:
_tile_overlayer_lowered:
.L_overlay_start_2:
0x3d: {  	(tag) =	ssettag $0x2  }
0x3e: {  	s0 =	rddreg [dreg:$0x0];
	s2 =	stileid.u32  }
0x3f: {  	s1 =	rddreg [dreg:$0x1];
	p0 =	sne.s32 s2, $0x0  }
0x40: {  	s3 =	rddreg [dreg:$0x2];
	[bflag:$0x3] =	sbarrier.arrive $0xFFFF;
	s2 =	simm.s32 @!p0 $0x1C02  }
0x41: {  	[timem:s3], [sflag:s2] =	dma.local @!p0 [hbm:s0], s1  }
0x42: {  	s0 =	simm.s32 @!p0 $0x2  }
0x43: {  	_ =	swait.ge @!p0 [sflag:s0], s1  }
0x44: {  	s1 =	ssub.s32 @!p0 $0x0, s1;
	[sflag:s0] =	ssyncset.done @!p0 $0x0  }
0x45: {  	[sflag:s0] =	ssyncadd.s32 @!p0 s1  }
0x46: {  	[bflag:$0x3] =	sbarrier.arrive $0xFFFF  }
0x47: {  	_ =	shalt  }

// kernel: kernel.15.cloned.1.call-start
scs
__scs_entry_jumppad:
0x0: {  	(pc) =	sbr.rel $0x88, $3  }
0x1: {  	(tag) =	ssettag $0x0;
	lr =	simm.s32 $0x1  }
0x2: {  	[smem:$0x3F9A] =	sst lr;
	_ =	strace $0xD0000000  }
0x3: {  	_ = 	snop  }
0x4: {  	_ = 	snop  }
0x5: {  	_ = 	snop  }
0x6: {  	_ = 	snop  }
0x7: {  	_ = 	snop  }
__scs_overlays_trampoline_lowered:
0x8: {  	[smem:$0x3FA9] =	sst s0  }
0x9: {  	[smem:$0x3FAA] =	sst s1  }
0xa: {  	[smem:$0x3FAB] =	sst s2  }
0xb: {  	[smem:$0x3FAC] =	sst s3  }
0xc: {  	[smem:$0x3FAD] =	sst s4  }
0xd: {  	[smem:$0x3FAE] =	sst s5  }
0xe: {  	[smem:$0x3FAF] =	sst s6  }
0xf: {  	[smem:$0x3FB0] =	sst s7  }
0x10: {  	[smem:$0x3FB1] =	sst s8  }
0x11: {  	[smem:$0x3FB2] =	sst s9;
	s0 =	simm.s32 @!p0 $0x0  }
0x12: {  	s1 =	sld [smem:$0x3F98];
	s0 =	simm.s32 @p0 $0x1  }
0x13: {  	[smem:$0x3FB3] =	sst s0;
	s0 =	simm.s32 @!p1 $0x0  }
0x14: {  	s2 =	sld [smem:$0x3F97];
	s0 =	simm.s32 @p1 $0x1  }
0x15: {  	[smem:$0x3FB4] =	sst s0;
	s0 =	simm.s32 @!p2 $0x0  }
0x16: {  	s3 =	sld [smem:$0x3FDB];
	s0 =	simm.s32 @p2 $0x1  }
0x17: {  	s4 =	simm.s32 $0x1BF5;
	[smem:$0x3FB6] =	sst s0  }
0x18: {  	s0 =	sld [smem:$0x3F99];
	_ =	swait.ge [sflag:s4], $0x0  }
0x19: {  	s7 =	sld [smem:$0x3F9A]  }
0x1a: {  	s8 =	sadd.s32 $0xFFFFE003, lr  }
0x1b: {  	s9 =	sadd.s32 $0xFFFFFEF7, lr;
	s5 =	simm.s32 $0xFFFFFFFF;
	p2 =	slt.u32 s8, $0xFFFFF086  }
0x1c: {  	p1 =	slt.u32 s9, $0xF7A;
	s5 =	simm.s32 @!p2 $0x0  }
0x1d: {  	s5 =	simm.s32 @p1 $0x1;
	p0 =	seq.s32 s7, s2  }
0x1e: {  	s7 =	smul.u32 @!p0 $0xF7A, s2;
	p2 =	seq.s32 @!p0 s5, $0x0  }
0x1f: {  	s9 =	smul.u32 $0xF7A, s1;
	s8 =	simm.s32 @!p0 $0x1BF5;
	p2 =	por !p2, p0  }
0x20: {  	[sflag:s8] =	ssyncset.s32 @!p0 $0xFFFFF086;
	s6 =	sadd.s32 @!p0 s3, s7;
	s7 =	simm.s32 @!p0 $0x108  }
0x21: {  	s3 =	sadd.s32 s3, s9;
	s6 =	sadd.s32 @!p0 $0x88, s6;
	s7 =	simm.s32 @p2 $0x1082  }
0x22: {  	[simem:s7], [sflag:s8] =	dma.local @!p0 [hbm:s6], $0xF7A  }
0x23: {  	s9 =	sor.u32 $0xD0000000, s2;
	s6 =	simm.s32 $0x108;
	_ =	swait.ge @!p0 [sflag:s8], $0x0  }
0x24: {  	s3 =	sadd.s32 $0x88, s3;
	s6 =	simm.s32 @!p1 $0x1082;
	[sflag:s4] =	ssyncset.s32 $0xFFFFF086  }
0x25: {  	[simem:s6], [sflag:s4] =	dma.local [hbm:s3], $0xF7A  }
0x26: {  	[smem:$0x3F9A] =	sst s1;
	(tag) =	ssettag s2;
	_ =	strace s9  }
0x27: {  	s1 =	sld [smem:$0x3FAA]  }
0x28: {  	s2 =	sld [smem:$0x3FAB]  }
0x29: {  	s4 =	sld [smem:$0x3FAD]  }
0x2a: {  	p0 =	seq.s32 s5, $0x0;
	s5 =	sld [smem:$0x3FAE]  }
0x2b: {  	s6 =	sld [smem:$0x3FAF]  }
0x2c: {  	s7 =	sld [smem:$0x3FB0]  }
0x2d: {  	s3 =	simm.s32 $0x108;
	s8 =	sld [smem:$0x3FB1]  }
0x2e: {  	s3 =	simm.s32 @!p0 $0x1082;
	s9 =	sld [smem:$0x3FB2]  }
0x2f: {  	lr =	sadd.s32 s0, s3;
	s0 =	sld [smem:$0x3FA9]  }
0x30: {  	s3 =	sld [smem:$0x3FAC]  }
0x31: {  	[smem:$0x3FB5] =	sst s10  }
0x32: {  	s10 =	sld [smem:$0x3FB3];
	_ =	sdelay $0x3  }
0x33: {  	p0 =	seq.s32 s10, $0x1;
	s10 =	sld [smem:$0x3FB5];
	_ =	sdelay $0x3  }
0x34: {  	[smem:$0x3FB5] =	sst s10  }
0x35: {  	s10 =	sld [smem:$0x3FB4];
	_ =	sdelay $0x3  }
0x36: {  	p1 =	seq.s32 s10, $0x1;
	s10 =	sld [smem:$0x3FB5];
	_ =	sdelay $0x3  }
0x37: {  	[smem:$0x3FB5] =	sst s10  }
0x38: {  	s10 =	sld [smem:$0x3FB6]  }
0x39: {  	_ = 	snop;
	(pc) =	sbr.ind lr, $3  }
0x3a: {  	_ = 	snop  }
0x3b: {  	_ = 	snop  }
0x3c: {  	p2 =	seq.s32 s10, $0x1;
	s10 =	sld [smem:$0x3FB5]  }
0x3d: {  	_ =	shalt  }
0x3e: {  	_ =	shalt  }
0x3f: {  	_ =	shalt  }
0x40: {  	_ =	shalt  }
0x41: {  	_ =	shalt  }
0x42: {  	_ =	shalt  }
0x43: {  	_ =	shalt  }
0x44: {  	_ =	shalt  }
0x45: {  	_ =	shalt  }
0x46: {  	_ =	shalt  }
0x47: {  	_ =	shalt  }
0x48: {  	_ =	shalt  }
0x49: {  	_ =	shalt  }
0x4a: {  	_ =	shalt  }
0x4b: {  	_ =	shalt  }
0x4c: {  	_ =	shalt  }
0x4d: {  	_ =	shalt  }
0x4e: {  	_ =	shalt  }
0x4f: {  	_ =	shalt  }
0x50: {  	_ =	shalt  }
0x51: {  	_ =	shalt  }
0x52: {  	_ =	shalt  }
0x53: {  	_ =	shalt  }
0x54: {  	_ =	shalt  }
0x55: {  	_ =	shalt  }
0x56: {  	_ =	shalt  }
0x57: {  	_ =	shalt  }
0x58: {  	_ =	shalt  }
0x59: {  	_ =	shalt  }
0x5a: {  	_ =	shalt  }
0x5b: {  	_ =	shalt  }
0x5c: {  	_ =	shalt  }
0x5d: {  	_ =	shalt  }
0x5e: {  	_ =	shalt  }
0x5f: {  	_ =	shalt  }
0x60: {  	_ =	shalt  }
0x61: {  	_ =	shalt  }
0x62: {  	_ =	shalt  }
0x63: {  	_ =	shalt  }
0x64: {  	_ =	shalt  }
0x65: {  	_ =	shalt  }
0x66: {  	_ =	shalt  }
0x67: {  	_ =	shalt  }
0x68: {  	_ =	shalt  }
0x69: {  	_ =	shalt  }
0x6a: {  	_ =	shalt  }
0x6b: {  	_ =	shalt  }
0x6c: {  	_ =	shalt  }
0x6d: {  	_ =	shalt  }
0x6e: {  	_ =	shalt  }
0x6f: {  	_ =	shalt  }
0x70: {  	_ =	shalt  }
0x71: {  	_ =	shalt  }
0x72: {  	_ =	shalt  }
0x73: {  	_ =	shalt  }
0x74: {  	_ =	shalt  }
0x75: {  	_ =	shalt  }
0x76: {  	_ =	shalt  }
0x77: {  	_ =	shalt  }
0x78: {  	_ =	shalt  }
0x79: {  	_ =	shalt  }
0x7a: {  	_ =	shalt  }
0x7b: {  	_ =	shalt  }
0x7c: {  	_ =	shalt  }
0x7d: {  	_ =	shalt  }
0x7e: {  	_ =	shalt  }
0x7f: {  	_ =	shalt  }
0x80: {  	_ =	shalt  }
0x81: {  	_ =	shalt  }
0x82: {  	_ =	shalt  }
0x83: {  	_ =	shalt  }
0x84: {  	_ =	shalt  }
0x85: {  	_ =	shalt  }
0x86: {  	_ =	shalt  }
0x87: {  	_ =	shalt  }
.Lfunc_end0:
.L_simem_size_0:
called_computation.1_lowered:
.L_overlay_start_0:
0x88: {  	s2 =	sld [smem:$0x3FD9]  }
0x89: {  	s3 =	sld [smem:$0x3FFE];
	_ =	sdelay $0x1  }
0x8a: {  	s1 =	srdreg.scid  }
0x8b: {  	s0 =	sand.u32 $0x1, s1  }
0x8c: {  	s17 =	sshll.u32 s0, $0xA;
	s2 =	sadd.s32 s3, s2  }
0x8d: {  	s2 =	sadd.s32 s2, s17  }
0x8e: {  	[smem:$0x3FC1] =	sst s2  }
0x8f: {  	_ = 	snop  }
0x90: {  	(tm) =	ssettm $0x1  }
0x91: {  	s18 =	sld [smem:$0x3FFB];
	_ =	sdelay $0x3  }
0x92: {  	_ =	strace s18  }
0x93: {  	s2 =	sld [smem:$0x3FFC];
	_ =	sdelay $0x3  }
0x94: {  	_ =	strace s2  }
0x95: {  	s2 =	sld [smem:$0x3FFD];
	_ =	sdelay $0x3  }
0x96: {  	_ =	strace s2  }
0x97: {  	_ =	strace $0x8FFFFFFF  }
0x98: {  	s19 =	sld [smem:$0x3FDB];
	_ =	sdelay $0x1  }
0x99: {  	s20 =	simm.s32 $_scs_section_size  }
0x9a: {  	s4 =	simm.s32 $_size__tile_overlayer_lowered;
	s5 =	simm.s32 $_tile_overlayer_lowered  }
0x9b: {  	s6 =	simm.s32 $0x1BFF;
	s21 =	sshll.u32 s5, $0x1;
	s3 =	sadd.s32 s20, s19  }
0x9c: {  	s22 =	simm.s32 $0x0;
	s4 =	sshll.u32 s4, $0x1;
	s5 =	sadd.s32 s21, s3  }
0x9d: {  	[timem:s22], [sflag:s6] =	dma.local [hbm:s5], s4  }
0x9e: {  	_ =	swait.ge [sflag:s6], s4  }
0x9f: {  	s4 =	ssub.s32 $0x0, s4;
	[sflag:s6] =	ssyncset.done $0x0  }
0xa0: {  	[sflag:s6] =	ssyncadd.s32 s4;
	_ =	sdelay $0x1  }
0xa1: {  	s23 =	simm.s32 $0x1B8B  }
0xa2: {  	_ =	swait.ge [sflag:s23], $0x1  }
0xa3: {  	[sflag:s23] =	ssyncset.done $0x0  }
0xa4: {  	[sflag:s23] =	ssyncadd.s32 $0xFFFFFFFF  }
0xa5: {  	s4 =	sld [smem:$0x0]  }
0xa6: {  	s5 =	sand.u32 $0xFFFFFFFE, s1  }
0xa7: {  	p0 =	sne.s32 s1, s5  }
0xa8: {  	s5 =	sshll.u32 @p0 s5, $0xE  }
0xa9: {  	s5 =	sadd.s32 @p0 $0x11B8D, s5;
	s6 =	sshll.u32 @p0 s4, $0x11  }
0xaa: {  	s5 =	sor.u32 @p0 s6, s5  }
0xab: {  	[sflag:s5] =	ssyncadd.remote.s32 @p0 $0x1;
	_ =	sdelay $0x1  }
0xac: {  	s5 =	simm.s32 @p0 $0x1B8D  }
0xad: {  	_ =	swait.eq @p0 [sflag:s5], $0x1  }
0xae: {  	[sflag:s5] =	ssyncadd.s32 @p0 $0xFFFFFFFF  }
0xaf: {  	s6 =	sshll.u32 @!p0 s1, $0xE  }
0xb0: {  	s6 =	sor.u32 @!p0 $0x4000, s6;
	s5 =	simm.s32 @!p0 $0x1B8D  }
0xb1: {  	s4 =	sshll.u32 @!p0 s4, $0x11;
	s6 =	sadd.s32 @!p0 $0x11B8D, s6;
	_ =	swait.eq @!p0 [sflag:s5], $0x1  }
0xb2: {  	s4 =	sor.u32 @!p0 s4, s6;
	[sflag:s5] =	ssyncadd.s32 @!p0 $0xFFFFFFFF  }
0xb3: {  	s25 =	simm.s32 $0x1B8E;
	s24 =	sld [smem:$0x3FFE];
	[sflag:s4] =	ssyncadd.remote.s32 @!p0 $0x1  }
0xb4: {  	s26 =	simm.s32 $execute0_lowered;
	[smem:$0x3FD2] =	sst s25  }
0xb5: {  	s5 =	sshll.u32 s26, $0x1;
	_ =	strace $0x80000049;
	[dreg:$0x1] =	wrdreg $0xFFFFFFFF  }
0xb6: {  	s28 =	simm.s32 $_size_execute0_lowered;
	s3 =	sadd.s32 s3, s5;
	[dreg:$0x0] =	wrdreg $0x0  }
0xb7: {  	s5 =	sshll.u32 s28, $0x1;
	[dreg:$0x2] =	wrdreg s3  }
0xb8: {  	[dreg:$0x3] =	wrdreg s5  }
0xb9: {  	[dreg:$0x4] =	wrdreg $0xC0  }
0xba: {  	_ =	task [dreg:s22], $0x5FFFF  }
0xbb: {  	[dreg:$0x1] =	wrdreg $0xFFFFFFFF  }
0xbc: {  	[dreg:$0x0] =	wrdreg $0x60  }
0xbd: {  	[dreg:$0x2] =	wrdreg s24  }
0xbe: {  	[dreg:$0x3] =	wrdreg $0xA  }
0xbf: {  	_ =	task.clear_ibuf [dreg:s22], $0x4FFFF;
	_ =	strace $0x90000049  }
0xc0: {  	s29 =	simm.s32 $0xA;
	_ =	strace $0x8000004B  }
0xc1: {  	_ =	swait.ge [sflag:s29], $0x1  }
0xc2: {  	[sflag:s29] =	ssyncadd.s32 $0xFFFFFFFF  }
0xc3: {  	_ =	strace $0x9000004B  }
0xc4: {  	_ =	sfence  }
0xc5: {  	s30 =	sld [smem:$0x0];
	_ =	sdelay $0x2  }
0xc6: {  	s31 =	sshll.u32 s1, $0xD;
	s1 =	sshrl.u32 s1, $0x2  }
0xc7: {  	s4 =	sand.u32 $0x4000, s31;
	s1 =	sadd.s32 s1, s30  }
0xc8: {  	s0 =	sor.u32 s4, s0;
	s1 =	sshll.u32 s1, $0x11  }
0xc9: {  	s0 =	sor.u32 s1, s0  }
0xca: {  	s0 =	sadd.s32 $0x8F2B, s0  }
0xcb: {  	[sflag:s0] =	ssyncadd.remote.s32 $0x1  }
0xcc: {  	_ =	sfence.sel $0xFFFF  }
0xcd: {  	[dreg:$0x0] =	wrdreg $0xFFFFFFFF;
	(pc) =	sbr.abs _section_cstart, $3  }
0xce: {  	[dreg:$0x1] =	wrdreg $0xFFFFFFFF  }
0xcf: {  	_ =	task.clear_ibuf [dreg:s22], $0x2FFFF;
	_ =	strace $0x9FFFFFFF  }
0xd0: {  	(tm) =	ssettm $0x7FFFFFFF  }
0xd1: {  	_ =	shalt  }
tec
execute0_lowered:
.L_overlay_start_1:
0x0: {  	(tag) =	ssettag $0x1  }
0x1: {  	s1 =	srdreg.scid;
	s0 =	stileid.u32  }
0x2: {  	s12 =	sand.u32 $0x1, s1;
	s29 =	sshll.u32 s0, $0x1  }
0x3: {  	s6 =	sor.u32 s12, s29  }
0x4: {  	s8 =	rddreg [dreg:$0x0];
	s11 =	smul.u32 $0x500, s6  }
0x5: {  	s2 =	simm.s32 $0x0;
	s1 =	rddreg [dreg:$0x1]  }
0x6: {  	[smem:$0x7FF] =	sst s2;
	s13 =	sadd.s32 $0x22AA00, s8;
	s3 =	sshrl.u32 s11, $0x3  }
0x7: {  	_ =	strace $0x8000004A;
	s4 =	sadd.s32 s13, s3;
	s3 =	simm.s32 $0x2  }
0x8: {  	[tilespmem:s2], [sflag:$0x2] =	stream.linear.gather [hbm4b:s4+s2], $0x280, $0x38;
	[tilespmem:$0xA280] =	vst v63  }
0x9: {  	_ =	swait.ge [sflag:s3], $0x280  }
0xa: {  	s7 =	simm.s32 $0x1;
	s5 =	sadd.s32 $0x4000, s8;
	[sflag:s3] =	ssyncset.done $0x0  }
0xb: {  	s9 =	smul.u32 $0x5000, s6;
	s6 =	simm.s32 $0x280;
	[sflag:s3] =	ssyncadd.s32 $0xFFFFFD80  }
0xc: {  	[tilespmem:s6], [sflag:$0x1] =	stream.indirect.gather [hbm4b:s5+s6], $0x40, s2, s6, $0xb8;
	[tilespmem:$0xA280] =	vst v63  }
0xd: {  	_ =	swait.ge [sflag:s7], $0xA000  }
0xe: {  	s10 =	simm.s32 $0x80;
	s14 =	sadd.s32 $0x22FA00, s8;
	[sflag:s7] =	ssyncset.done $0x0  }
0xf: {  	s8 =	sadd.s32 s14, s9;
	s9 =	simm.s32 $0x40;
	[sflag:s7] =	ssyncadd.s32 $0xFFFF6000  }
0x10: {  	[hbm4b:s8+s9] =	stream.strided.scatter [tilespmem:s6], [sflag:$0x2], $0xA000, s10, s9, $0x38;
	[tilespmem:$0xA280] =	vst v63  }
0x11: {  	s15 =	sadd.s32 $0x280, s11;
	_ =	swait.ge [sflag:s3], $0xA000  }
0x12: {  	s11 =	sshrl.u32 s15, $0x3;
	[sflag:s3] =	ssyncset.done $0x0  }
0x13: {  	s12 =	ssub.s32 $0x2, s12;
	s11 =	sadd.s32 s13, s11;
	[sflag:s3] =	ssyncadd.s32 $0xFFFF6000  }
0x14: {  	[tilespmem:s2], [sflag:$0x2] =	stream.linear.gather [hbm4b:s11+s2], $0x280, $0x38;
	[tilespmem:$0xA280] =	vst v63  }
0x15: {  	s30 =	sshrl.u32 s12, $0x1;
	_ =	swait.ge [sflag:s3], $0x280  }
0x16: {  	s13 =	ssub.s32 s12, s30;
	[sflag:s3] =	ssyncset.done $0x0  }
0x17: {  	s13 =	smax.u32 s13, $0x1;
	[sflag:s3] =	ssyncadd.s32 $0xFFFFFD80  }
0x18: {  	[tilespmem:s6], [sflag:$0x1] =	stream.indirect.gather [hbm4b:s5+s6], $0x40, s2, s6, $0xb8;
	[tilespmem:$0xA280] =	vst v63  }
0x19: {  	p0 =	sne.s32 s13, $0x1;
	_ =	swait.ge [sflag:s7], $0xA000  }
.Ltmp0:
0x1a: {  	s31 =	sshll.u32 s15, $0x4;
	[sflag:s7] =	ssyncset.done $0x0;
	(pc) =	sbr.rel @!p0 .LBB2_2-.Ltmp0, $4  }
0x1b: {  	s12 =	sadd.s32 s14, s31;
	[sflag:s7] =	ssyncadd.s32 $0xFFFF6000  }
0x1c: {  	[hbm4b:s12+s9] =	stream.strided.scatter [tilespmem:s6], [sflag:$0x2], $0xA000, s10, s9, $0x38;
	[tilespmem:$0xA280] =	vst v63  }
0x1d: {  	_ =	swait.ge [sflag:s3], $0xA000  }
0x1e: {  	s13 =	sadd.s32 $0xFFFFFFFF, s13;
	[sflag:s3] =	ssyncset.done $0x0  }
.LBB2_1:
0x1f: {  	p0 =	sne.s32 s13, $0x1;
	s13 =	sadd.s32 $0xFFFFFFFF, s13;
	[sflag:s3] =	ssyncadd.s32 $0xFFFF6000  }
0x20: {  	[tilespmem:s2], [sflag:$0x2] =	stream.linear.gather [hbm4b:s4+s2], $0x280, $0x38;
	[tilespmem:$0xA280] =	vst v63  }
0x21: {  	_ =	swait.ge [sflag:s3], $0x280  }
0x22: {  	[sflag:s3] =	ssyncset.done $0x0  }
0x23: {  	[sflag:s3] =	ssyncadd.s32 $0xFFFFFD80  }
0x24: {  	[tilespmem:s6], [sflag:$0x1] =	stream.indirect.gather [hbm4b:s5+s6], $0x40, s2, s6, $0xb8;
	[tilespmem:$0xA280] =	vst v63  }
0x25: {  	_ =	swait.ge [sflag:s7], $0xA000  }
0x26: {  	[sflag:s7] =	ssyncset.done $0x0  }
0x27: {  	[sflag:s7] =	ssyncadd.s32 $0xFFFF6000  }
0x28: {  	[hbm4b:s8+s9] =	stream.strided.scatter [tilespmem:s6], [sflag:$0x2], $0xA000, s10, s9, $0x38;
	[tilespmem:$0xA280] =	vst v63  }
0x29: {  	_ =	swait.ge [sflag:s3], $0xA000  }
0x2a: {  	[sflag:s3] =	ssyncset.done $0x0  }
0x2b: {  	[sflag:s3] =	ssyncadd.s32 $0xFFFF6000  }
0x2c: {  	[tilespmem:s2], [sflag:$0x2] =	stream.linear.gather [hbm4b:s11+s2], $0x280, $0x38;
	[tilespmem:$0xA280] =	vst v63  }
0x2d: {  	_ =	swait.ge [sflag:s3], $0x280  }
0x2e: {  	[sflag:s3] =	ssyncset.done $0x0  }
0x2f: {  	[sflag:s3] =	ssyncadd.s32 $0xFFFFFD80  }
0x30: {  	[tilespmem:s6], [sflag:$0x1] =	stream.indirect.gather [hbm4b:s5+s6], $0x40, s2, s6, $0xb8;
	[tilespmem:$0xA280] =	vst v63  }
0x31: {  	_ =	swait.ge [sflag:s7], $0xA000  }
.Ltmp1:
0x32: {  	[sflag:s7] =	ssyncset.done $0x0;
	(pc) =	sbr.rel @p0 .LBB2_1-.Ltmp1, $4  }
0x33: {  	[sflag:s7] =	ssyncadd.s32 $0xFFFF6000  }
0x34: {  	[hbm4b:s12+s9] =	stream.strided.scatter [tilespmem:s6], [sflag:$0x2], $0xA000, s10, s9, $0x38;
	[tilespmem:$0xA280] =	vst v63  }
0x35: {  	_ =	swait.ge [sflag:s3], $0xA000  }
0x36: {  	[sflag:s3] =	ssyncset.done $0x0  }
.LBB2_2:
0x37: {  	[sflag:s3] =	ssyncadd.s32 $0xFFFF6000  }
0x38: {  	_ =	sfence.sel $0x180000  }
0x39: {  	[bflag:$0x0] =	sbarrier.arrive $0xFFFF  }
0x3a: {  	p0 =	sne.s32 s0, $0x0;
	_ =	strace $0x9000004A  }
0x3b: {  	s0 =	sadd.s32 @!p0 $0x100000, s1;
	[bflag:$0x2] =	sbarrier.arrive $0xFFFF  }
0x3c: {  	[sflag:s0] =	ssyncadd.tile.s32 @!p0 $0x1;
	_ =	shalt  }
.Lfunc_end2:
_tile_overlayer_lowered:
.L_overlay_start_2:
0x3d: {  	(tag) =	ssettag $0x2  }
0x3e: {  	s0 =	rddreg [dreg:$0x0];
	s2 =	stileid.u32  }
0x3f: {  	s1 =	rddreg [dreg:$0x1];
	p0 =	sne.s32 s2, $0x0  }
0x40: {  	s3 =	rddreg [dreg:$0x2];
	[bflag:$0x3] =	sbarrier.arrive $0xFFFF;
	s2 =	simm.s32 @!p0 $0x1C02  }
0x41: {  	[timem:s3], [sflag:s2] =	dma.local @!p0 [hbm:s0], s1  }
0x42: {  	s0 =	simm.s32 @!p0 $0x2  }
0x43: {  	_ =	swait.ge @!p0 [sflag:s0], s1  }
0x44: {  	s1 =	ssub.s32 @!p0 $0x0, s1;
	[sflag:s0] =	ssyncset.done @!p0 $0x0  }
0x45: {  	[sflag:s0] =	ssyncadd.s32 @!p0 s1  }
0x46: {  	[bflag:$0x3] =	sbarrier.arrive $0xFFFF  }
0x47: {  	_ =	shalt  }

// kernel: kernel.18.cloned.1.call-start
scs
__scs_entry_jumppad:
0x0: {  	(pc) =	sbr.rel $0x88, $3  }
0x1: {  	(tag) =	ssettag $0x0;
	lr =	simm.s32 $0x1  }
0x2: {  	[smem:$0x3F9A] =	sst lr;
	_ =	strace $0xD0000000  }
0x3: {  	_ = 	snop  }
0x4: {  	_ = 	snop  }
0x5: {  	_ = 	snop  }
0x6: {  	_ = 	snop  }
0x7: {  	_ = 	snop  }
__scs_overlays_trampoline_lowered:
0x8: {  	[smem:$0x3FA9] =	sst s0  }
0x9: {  	[smem:$0x3FAA] =	sst s1  }
0xa: {  	[smem:$0x3FAB] =	sst s2  }
0xb: {  	[smem:$0x3FAC] =	sst s3  }
0xc: {  	[smem:$0x3FAD] =	sst s4  }
0xd: {  	[smem:$0x3FAE] =	sst s5  }
0xe: {  	[smem:$0x3FAF] =	sst s6  }
0xf: {  	[smem:$0x3FB0] =	sst s7  }
0x10: {  	[smem:$0x3FB1] =	sst s8  }
0x11: {  	[smem:$0x3FB2] =	sst s9;
	s0 =	simm.s32 @!p0 $0x0  }
0x12: {  	s1 =	sld [smem:$0x3F98];
	s0 =	simm.s32 @p0 $0x1  }
0x13: {  	[smem:$0x3FB3] =	sst s0;
	s0 =	simm.s32 @!p1 $0x0  }
0x14: {  	s2 =	sld [smem:$0x3F97];
	s0 =	simm.s32 @p1 $0x1  }
0x15: {  	[smem:$0x3FB4] =	sst s0;
	s0 =	simm.s32 @!p2 $0x0  }
0x16: {  	s3 =	sld [smem:$0x3FDB];
	s0 =	simm.s32 @p2 $0x1  }
0x17: {  	s4 =	simm.s32 $0x1BF5;
	[smem:$0x3FB6] =	sst s0  }
0x18: {  	s0 =	sld [smem:$0x3F99];
	_ =	swait.ge [sflag:s4], $0x0  }
0x19: {  	s7 =	sld [smem:$0x3F9A]  }
0x1a: {  	s8 =	sadd.s32 $0xFFFFE003, lr  }
0x1b: {  	s9 =	sadd.s32 $0xFFFFFEF7, lr;
	s5 =	simm.s32 $0xFFFFFFFF;
	p2 =	slt.u32 s8, $0xFFFFF086  }
0x1c: {  	p1 =	slt.u32 s9, $0xF7A;
	s5 =	simm.s32 @!p2 $0x0  }
0x1d: {  	s5 =	simm.s32 @p1 $0x1;
	p0 =	seq.s32 s7, s2  }
0x1e: {  	s7 =	smul.u32 @!p0 $0xF7A, s2;
	p2 =	seq.s32 @!p0 s5, $0x0  }
0x1f: {  	s9 =	smul.u32 $0xF7A, s1;
	s8 =	simm.s32 @!p0 $0x1BF5;
	p2 =	por !p2, p0  }
0x20: {  	[sflag:s8] =	ssyncset.s32 @!p0 $0xFFFFF086;
	s6 =	sadd.s32 @!p0 s3, s7;
	s7 =	simm.s32 @!p0 $0x108  }
0x21: {  	s3 =	sadd.s32 s3, s9;
	s6 =	sadd.s32 @!p0 $0x88, s6;
	s7 =	simm.s32 @p2 $0x1082  }
0x22: {  	[simem:s7], [sflag:s8] =	dma.local @!p0 [hbm:s6], $0xF7A  }
0x23: {  	s9 =	sor.u32 $0xD0000000, s2;
	s6 =	simm.s32 $0x108;
	_ =	swait.ge @!p0 [sflag:s8], $0x0  }
0x24: {  	s3 =	sadd.s32 $0x88, s3;
	s6 =	simm.s32 @!p1 $0x1082;
	[sflag:s4] =	ssyncset.s32 $0xFFFFF086  }
0x25: {  	[simem:s6], [sflag:s4] =	dma.local [hbm:s3], $0xF7A  }
0x26: {  	[smem:$0x3F9A] =	sst s1;
	(tag) =	ssettag s2;
	_ =	strace s9  }
0x27: {  	s1 =	sld [smem:$0x3FAA]  }
0x28: {  	s2 =	sld [smem:$0x3FAB]  }
0x29: {  	s4 =	sld [smem:$0x3FAD]  }
0x2a: {  	p0 =	seq.s32 s5, $0x0;
	s5 =	sld [smem:$0x3FAE]  }
0x2b: {  	s6 =	sld [smem:$0x3FAF]  }
0x2c: {  	s7 =	sld [smem:$0x3FB0]  }
0x2d: {  	s3 =	simm.s32 $0x108;
	s8 =	sld [smem:$0x3FB1]  }
0x2e: {  	s3 =	simm.s32 @!p0 $0x1082;
	s9 =	sld [smem:$0x3FB2]  }
0x2f: {  	lr =	sadd.s32 s0, s3;
	s0 =	sld [smem:$0x3FA9]  }
0x30: {  	s3 =	sld [smem:$0x3FAC]  }
0x31: {  	[smem:$0x3FB5] =	sst s10  }
0x32: {  	s10 =	sld [smem:$0x3FB3];
	_ =	sdelay $0x3  }
0x33: {  	p0 =	seq.s32 s10, $0x1;
	s10 =	sld [smem:$0x3FB5];
	_ =	sdelay $0x3  }
0x34: {  	[smem:$0x3FB5] =	sst s10  }
0x35: {  	s10 =	sld [smem:$0x3FB4];
	_ =	sdelay $0x3  }
0x36: {  	p1 =	seq.s32 s10, $0x1;
	s10 =	sld [smem:$0x3FB5];
	_ =	sdelay $0x3  }
0x37: {  	[smem:$0x3FB5] =	sst s10  }
0x38: {  	s10 =	sld [smem:$0x3FB6]  }
0x39: {  	_ = 	snop;
	(pc) =	sbr.ind lr, $3  }
0x3a: {  	_ = 	snop  }
0x3b: {  	_ = 	snop  }
0x3c: {  	p2 =	seq.s32 s10, $0x1;
	s10 =	sld [smem:$0x3FB5]  }
0x3d: {  	_ =	shalt  }
0x3e: {  	_ =	shalt  }
0x3f: {  	_ =	shalt  }
0x40: {  	_ =	shalt  }
0x41: {  	_ =	shalt  }
0x42: {  	_ =	shalt  }
0x43: {  	_ =	shalt  }
0x44: {  	_ =	shalt  }
0x45: {  	_ =	shalt  }
0x46: {  	_ =	shalt  }
0x47: {  	_ =	shalt  }
0x48: {  	_ =	shalt  }
0x49: {  	_ =	shalt  }
0x4a: {  	_ =	shalt  }
0x4b: {  	_ =	shalt  }
0x4c: {  	_ =	shalt  }
0x4d: {  	_ =	shalt  }
0x4e: {  	_ =	shalt  }
0x4f: {  	_ =	shalt  }
0x50: {  	_ =	shalt  }
0x51: {  	_ =	shalt  }
0x52: {  	_ =	shalt  }
0x53: {  	_ =	shalt  }
0x54: {  	_ =	shalt  }
0x55: {  	_ =	shalt  }
0x56: {  	_ =	shalt  }
0x57: {  	_ =	shalt  }
0x58: {  	_ =	shalt  }
0x59: {  	_ =	shalt  }
0x5a: {  	_ =	shalt  }
0x5b: {  	_ =	shalt  }
0x5c: {  	_ =	shalt  }
0x5d: {  	_ =	shalt  }
0x5e: {  	_ =	shalt  }
0x5f: {  	_ =	shalt  }
0x60: {  	_ =	shalt  }
0x61: {  	_ =	shalt  }
0x62: {  	_ =	shalt  }
0x63: {  	_ =	shalt  }
0x64: {  	_ =	shalt  }
0x65: {  	_ =	shalt  }
0x66: {  	_ =	shalt  }
0x67: {  	_ =	shalt  }
0x68: {  	_ =	shalt  }
0x69: {  	_ =	shalt  }
0x6a: {  	_ =	shalt  }
0x6b: {  	_ =	shalt  }
0x6c: {  	_ =	shalt  }
0x6d: {  	_ =	shalt  }
0x6e: {  	_ =	shalt  }
0x6f: {  	_ =	shalt  }
0x70: {  	_ =	shalt  }
0x71: {  	_ =	shalt  }
0x72: {  	_ =	shalt  }
0x73: {  	_ =	shalt  }
0x74: {  	_ =	shalt  }
0x75: {  	_ =	shalt  }
0x76: {  	_ =	shalt  }
0x77: {  	_ =	shalt  }
0x78: {  	_ =	shalt  }
0x79: {  	_ =	shalt  }
0x7a: {  	_ =	shalt  }
0x7b: {  	_ =	shalt  }
0x7c: {  	_ =	shalt  }
0x7d: {  	_ =	shalt  }
0x7e: {  	_ =	shalt  }
0x7f: {  	_ =	shalt  }
0x80: {  	_ =	shalt  }
0x81: {  	_ =	shalt  }
0x82: {  	_ =	shalt  }
0x83: {  	_ =	shalt  }
0x84: {  	_ =	shalt  }
0x85: {  	_ =	shalt  }
0x86: {  	_ =	shalt  }
0x87: {  	_ =	shalt  }
.Lfunc_end0:
.L_simem_size_0:
called_computation.2_lowered:
.L_overlay_start_0:
0x88: {  	s2 =	sld [smem:$0x3FD9]  }
0x89: {  	s3 =	sld [smem:$0x3FFE];
	_ =	sdelay $0x1  }
0x8a: {  	s1 =	srdreg.scid  }
0x8b: {  	s0 =	sand.u32 $0x1, s1  }
0x8c: {  	s17 =	sshll.u32 s0, $0xA;
	s2 =	sadd.s32 s3, s2  }
0x8d: {  	s2 =	sadd.s32 s2, s17  }
0x8e: {  	[smem:$0x3FC1] =	sst s2  }
0x8f: {  	_ = 	snop  }
0x90: {  	(tm) =	ssettm $0x1  }
0x91: {  	s18 =	sld [smem:$0x3FFB];
	_ =	sdelay $0x3  }
0x92: {  	_ =	strace s18  }
0x93: {  	s2 =	sld [smem:$0x3FFC];
	_ =	sdelay $0x3  }
0x94: {  	_ =	strace s2  }
0x95: {  	s2 =	sld [smem:$0x3FFD];
	_ =	sdelay $0x3  }
0x96: {  	_ =	strace s2  }
0x97: {  	_ =	strace $0x8FFFFFFF  }
0x98: {  	s19 =	sld [smem:$0x3FDB];
	_ =	sdelay $0x1  }
0x99: {  	s20 =	simm.s32 $_scs_section_size  }
0x9a: {  	s4 =	simm.s32 $_size__tile_overlayer_lowered;
	s5 =	simm.s32 $_tile_overlayer_lowered  }
0x9b: {  	s6 =	simm.s32 $0x1BFF;
	s21 =	sshll.u32 s5, $0x1;
	s3 =	sadd.s32 s20, s19  }
0x9c: {  	s22 =	simm.s32 $0x0;
	s4 =	sshll.u32 s4, $0x1;
	s5 =	sadd.s32 s21, s3  }
0x9d: {  	[timem:s22], [sflag:s6] =	dma.local [hbm:s5], s4  }
0x9e: {  	_ =	swait.ge [sflag:s6], s4  }
0x9f: {  	s4 =	ssub.s32 $0x0, s4;
	[sflag:s6] =	ssyncset.done $0x0  }
0xa0: {  	[sflag:s6] =	ssyncadd.s32 s4;
	_ =	sdelay $0x1  }
0xa1: {  	s23 =	simm.s32 $0x1B8B  }
0xa2: {  	_ =	swait.ge [sflag:s23], $0x1  }
0xa3: {  	[sflag:s23] =	ssyncset.done $0x0  }
0xa4: {  	[sflag:s23] =	ssyncadd.s32 $0xFFFFFFFF  }
0xa5: {  	s4 =	sld [smem:$0x0]  }
0xa6: {  	s5 =	sand.u32 $0xFFFFFFFE, s1  }
0xa7: {  	p0 =	sne.s32 s1, s5  }
0xa8: {  	s5 =	sshll.u32 @p0 s5, $0xE  }
0xa9: {  	s5 =	sadd.s32 @p0 $0x11B8D, s5;
	s6 =	sshll.u32 @p0 s4, $0x11  }
0xaa: {  	s5 =	sor.u32 @p0 s6, s5  }
0xab: {  	[sflag:s5] =	ssyncadd.remote.s32 @p0 $0x1;
	_ =	sdelay $0x1  }
0xac: {  	s5 =	simm.s32 @p0 $0x1B8D  }
0xad: {  	_ =	swait.eq @p0 [sflag:s5], $0x1  }
0xae: {  	[sflag:s5] =	ssyncadd.s32 @p0 $0xFFFFFFFF  }
0xaf: {  	s6 =	sshll.u32 @!p0 s1, $0xE  }
0xb0: {  	s6 =	sor.u32 @!p0 $0x4000, s6;
	s5 =	simm.s32 @!p0 $0x1B8D  }
0xb1: {  	s4 =	sshll.u32 @!p0 s4, $0x11;
	s6 =	sadd.s32 @!p0 $0x11B8D, s6;
	_ =	swait.eq @!p0 [sflag:s5], $0x1  }
0xb2: {  	s4 =	sor.u32 @!p0 s4, s6;
	[sflag:s5] =	ssyncadd.s32 @!p0 $0xFFFFFFFF  }
0xb3: {  	s25 =	simm.s32 $0x1B8E;
	s24 =	sld [smem:$0x3FFE];
	[sflag:s4] =	ssyncadd.remote.s32 @!p0 $0x1  }
0xb4: {  	s26 =	simm.s32 $execute0_lowered;
	[smem:$0x3FD2] =	sst s25  }
0xb5: {  	s5 =	sshll.u32 s26, $0x1;
	_ =	strace $0x8000004C;
	[dreg:$0x1] =	wrdreg $0xFFFFFFFF  }
0xb6: {  	s28 =	simm.s32 $_size_execute0_lowered;
	s3 =	sadd.s32 s3, s5;
	[dreg:$0x0] =	wrdreg $0x0  }
0xb7: {  	s5 =	sshll.u32 s28, $0x1;
	[dreg:$0x2] =	wrdreg s3  }
0xb8: {  	[dreg:$0x3] =	wrdreg s5  }
0xb9: {  	[dreg:$0x4] =	wrdreg $0xC0  }
0xba: {  	_ =	task [dreg:s22], $0x5FFFF  }
0xbb: {  	[dreg:$0x1] =	wrdreg $0xFFFFFFFF  }
0xbc: {  	[dreg:$0x0] =	wrdreg $0x60  }
0xbd: {  	[dreg:$0x2] =	wrdreg s24  }
0xbe: {  	[dreg:$0x3] =	wrdreg $0xB  }
0xbf: {  	_ =	task.clear_ibuf [dreg:s22], $0x4FFFF;
	_ =	strace $0x9000004C  }
0xc0: {  	s29 =	simm.s32 $0xB;
	_ =	strace $0x8000004E  }
0xc1: {  	_ =	swait.ge [sflag:s29], $0x1  }
0xc2: {  	[sflag:s29] =	ssyncadd.s32 $0xFFFFFFFF  }
0xc3: {  	_ =	strace $0x9000004E  }
0xc4: {  	_ =	sfence  }
0xc5: {  	s30 =	sld [smem:$0x0];
	_ =	sdelay $0x2  }
0xc6: {  	s31 =	sshll.u32 s1, $0xD;
	s1 =	sshrl.u32 s1, $0x2  }
0xc7: {  	s4 =	sand.u32 $0x4000, s31;
	s1 =	sadd.s32 s1, s30  }
0xc8: {  	s0 =	sor.u32 s4, s0;
	s1 =	sshll.u32 s1, $0x11  }
0xc9: {  	s0 =	sor.u32 s1, s0  }
0xca: {  	s0 =	sadd.s32 $0x8F2B, s0  }
0xcb: {  	[sflag:s0] =	ssyncadd.remote.s32 $0x1  }
0xcc: {  	_ =	sfence.sel $0xFFFF  }
0xcd: {  	[dreg:$0x0] =	wrdreg $0xFFFFFFFF;
	(pc) =	sbr.abs _section_cstart, $3  }
0xce: {  	[dreg:$0x1] =	wrdreg $0xFFFFFFFF  }
0xcf: {  	_ =	task.clear_ibuf [dreg:s22], $0x2FFFF;
	_ =	strace $0x9FFFFFFF  }
0xd0: {  	(tm) =	ssettm $0x7FFFFFFF  }
0xd1: {  	_ =	shalt  }
tec
execute0_lowered:
.L_overlay_start_1:
0x0: {  	(tag) =	ssettag $0x1  }
0x1: {  	s1 =	srdreg.scid;
	s0 =	stileid.u32  }
0x2: {  	s12 =	sand.u32 $0x1, s1;
	s29 =	sshll.u32 s0, $0x1  }
0x3: {  	s6 =	sor.u32 s12, s29  }
0x4: {  	s8 =	rddreg [dreg:$0x0];
	s11 =	smul.u32 $0x500, s6  }
0x5: {  	s2 =	simm.s32 $0x0;
	s1 =	rddreg [dreg:$0x1]  }
0x6: {  	[smem:$0x7FF] =	sst s2;
	s13 =	sadd.s32 $0x22BE00, s8;
	s3 =	sshrl.u32 s11, $0x3  }
0x7: {  	_ =	strace $0x8000004D;
	s4 =	sadd.s32 s13, s3;
	s3 =	simm.s32 $0x2  }
0x8: {  	[tilespmem:s2], [sflag:$0x2] =	stream.linear.gather [hbm4b:s4+s2], $0x280, $0x38;
	[tilespmem:$0xA280] =	vst v63  }
0x9: {  	_ =	swait.ge [sflag:s3], $0x280  }
0xa: {  	s7 =	simm.s32 $0x1;
	s5 =	sadd.s32 $0x4000, s8;
	[sflag:s3] =	ssyncset.done $0x0  }
0xb: {  	s9 =	smul.u32 $0x5000, s6;
	s6 =	simm.s32 $0x280;
	[sflag:s3] =	ssyncadd.s32 $0xFFFFFD80  }
0xc: {  	[tilespmem:s6], [sflag:$0x1] =	stream.indirect.gather [hbm4b:s5+s6], $0x40, s2, s6, $0xb8;
	[tilespmem:$0xA280] =	vst v63  }
0xd: {  	_ =	swait.ge [sflag:s7], $0xA000  }
0xe: {  	s10 =	simm.s32 $0x80;
	s14 =	sadd.s32 $0x2CFA00, s8;
	[sflag:s7] =	ssyncset.done $0x0  }
0xf: {  	s8 =	sadd.s32 s14, s9;
	s9 =	simm.s32 $0x40;
	[sflag:s7] =	ssyncadd.s32 $0xFFFF6000  }
0x10: {  	[hbm4b:s8+s9] =	stream.strided.scatter [tilespmem:s6], [sflag:$0x2], $0xA000, s10, s9, $0x38;
	[tilespmem:$0xA280] =	vst v63  }
0x11: {  	s15 =	sadd.s32 $0x280, s11;
	_ =	swait.ge [sflag:s3], $0xA000  }
0x12: {  	s11 =	sshrl.u32 s15, $0x3;
	[sflag:s3] =	ssyncset.done $0x0  }
0x13: {  	s12 =	ssub.s32 $0x2, s12;
	s11 =	sadd.s32 s13, s11;
	[sflag:s3] =	ssyncadd.s32 $0xFFFF6000  }
0x14: {  	[tilespmem:s2], [sflag:$0x2] =	stream.linear.gather [hbm4b:s11+s2], $0x280, $0x38;
	[tilespmem:$0xA280] =	vst v63  }
0x15: {  	s30 =	sshrl.u32 s12, $0x1;
	_ =	swait.ge [sflag:s3], $0x280  }
0x16: {  	s13 =	ssub.s32 s12, s30;
	[sflag:s3] =	ssyncset.done $0x0  }
0x17: {  	s13 =	smax.u32 s13, $0x1;
	[sflag:s3] =	ssyncadd.s32 $0xFFFFFD80  }
0x18: {  	[tilespmem:s6], [sflag:$0x1] =	stream.indirect.gather [hbm4b:s5+s6], $0x40, s2, s6, $0xb8;
	[tilespmem:$0xA280] =	vst v63  }
0x19: {  	p0 =	sne.s32 s13, $0x1;
	_ =	swait.ge [sflag:s7], $0xA000  }
.Ltmp0:
0x1a: {  	s31 =	sshll.u32 s15, $0x4;
	[sflag:s7] =	ssyncset.done $0x0;
	(pc) =	sbr.rel @!p0 .LBB2_2-.Ltmp0, $4  }
0x1b: {  	s12 =	sadd.s32 s14, s31;
	[sflag:s7] =	ssyncadd.s32 $0xFFFF6000  }
0x1c: {  	[hbm4b:s12+s9] =	stream.strided.scatter [tilespmem:s6], [sflag:$0x2], $0xA000, s10, s9, $0x38;
	[tilespmem:$0xA280] =	vst v63  }
0x1d: {  	_ =	swait.ge [sflag:s3], $0xA000  }
0x1e: {  	s13 =	sadd.s32 $0xFFFFFFFF, s13;
	[sflag:s3] =	ssyncset.done $0x0  }
.LBB2_1:
0x1f: {  	p0 =	sne.s32 s13, $0x1;
	s13 =	sadd.s32 $0xFFFFFFFF, s13;
	[sflag:s3] =	ssyncadd.s32 $0xFFFF6000  }
0x20: {  	[tilespmem:s2], [sflag:$0x2] =	stream.linear.gather [hbm4b:s4+s2], $0x280, $0x38;
	[tilespmem:$0xA280] =	vst v63  }
0x21: {  	_ =	swait.ge [sflag:s3], $0x280  }
0x22: {  	[sflag:s3] =	ssyncset.done $0x0  }
0x23: {  	[sflag:s3] =	ssyncadd.s32 $0xFFFFFD80  }
0x24: {  	[tilespmem:s6], [sflag:$0x1] =	stream.indirect.gather [hbm4b:s5+s6], $0x40, s2, s6, $0xb8;
	[tilespmem:$0xA280] =	vst v63  }
0x25: {  	_ =	swait.ge [sflag:s7], $0xA000  }
0x26: {  	[sflag:s7] =	ssyncset.done $0x0  }
0x27: {  	[sflag:s7] =	ssyncadd.s32 $0xFFFF6000  }
0x28: {  	[hbm4b:s8+s9] =	stream.strided.scatter [tilespmem:s6], [sflag:$0x2], $0xA000, s10, s9, $0x38;
	[tilespmem:$0xA280] =	vst v63  }
0x29: {  	_ =	swait.ge [sflag:s3], $0xA000  }
0x2a: {  	[sflag:s3] =	ssyncset.done $0x0  }
0x2b: {  	[sflag:s3] =	ssyncadd.s32 $0xFFFF6000  }
0x2c: {  	[tilespmem:s2], [sflag:$0x2] =	stream.linear.gather [hbm4b:s11+s2], $0x280, $0x38;
	[tilespmem:$0xA280] =	vst v63  }
0x2d: {  	_ =	swait.ge [sflag:s3], $0x280  }
0x2e: {  	[sflag:s3] =	ssyncset.done $0x0  }
0x2f: {  	[sflag:s3] =	ssyncadd.s32 $0xFFFFFD80  }
0x30: {  	[tilespmem:s6], [sflag:$0x1] =	stream.indirect.gather [hbm4b:s5+s6], $0x40, s2, s6, $0xb8;
	[tilespmem:$0xA280] =	vst v63  }
0x31: {  	_ =	swait.ge [sflag:s7], $0xA000  }
.Ltmp1:
0x32: {  	[sflag:s7] =	ssyncset.done $0x0;
	(pc) =	sbr.rel @p0 .LBB2_1-.Ltmp1, $4  }
0x33: {  	[sflag:s7] =	ssyncadd.s32 $0xFFFF6000  }
0x34: {  	[hbm4b:s12+s9] =	stream.strided.scatter [tilespmem:s6], [sflag:$0x2], $0xA000, s10, s9, $0x38;
	[tilespmem:$0xA280] =	vst v63  }
0x35: {  	_ =	swait.ge [sflag:s3], $0xA000  }
0x36: {  	[sflag:s3] =	ssyncset.done $0x0  }
.LBB2_2:
0x37: {  	[sflag:s3] =	ssyncadd.s32 $0xFFFF6000  }
0x38: {  	_ =	sfence.sel $0x180000  }
0x39: {  	[bflag:$0x0] =	sbarrier.arrive $0xFFFF  }
0x3a: {  	p0 =	sne.s32 s0, $0x0;
	_ =	strace $0x9000004D  }
0x3b: {  	s0 =	sadd.s32 @!p0 $0x100000, s1;
	[bflag:$0x2] =	sbarrier.arrive $0xFFFF  }
0x3c: {  	[sflag:s0] =	ssyncadd.tile.s32 @!p0 $0x1;
	_ =	shalt  }
.Lfunc_end2:
_tile_overlayer_lowered:
.L_overlay_start_2:
0x3d: {  	(tag) =	ssettag $0x2  }
0x3e: {  	s0 =	rddreg [dreg:$0x0];
	s2 =	stileid.u32  }
0x3f: {  	s1 =	rddreg [dreg:$0x1];
	p0 =	sne.s32 s2, $0x0  }
0x40: {  	s3 =	rddreg [dreg:$0x2];
	[bflag:$0x3] =	sbarrier.arrive $0xFFFF;
	s2 =	simm.s32 @!p0 $0x1C02  }
0x41: {  	[timem:s3], [sflag:s2] =	dma.local @!p0 [hbm:s0], s1  }
0x42: {  	s0 =	simm.s32 @!p0 $0x2  }
0x43: {  	_ =	swait.ge @!p0 [sflag:s0], s1  }
0x44: {  	s1 =	ssub.s32 @!p0 $0x0, s1;
	[sflag:s0] =	ssyncset.done @!p0 $0x0  }
0x45: {  	[sflag:s0] =	ssyncadd.s32 @!p0 s1  }
0x46: {  	[bflag:$0x3] =	sbarrier.arrive $0xFFFF  }
0x47: {  	_ =	shalt  }

// kernel: kernel.21.cloned.1.call-start
scs
__scs_entry_jumppad:
0x0: {  	(pc) =	sbr.rel $0x88, $3  }
0x1: {  	(tag) =	ssettag $0x0;
	lr =	simm.s32 $0x1  }
0x2: {  	[smem:$0x3F9A] =	sst lr;
	_ =	strace $0xD0000000  }
0x3: {  	_ = 	snop  }
0x4: {  	_ = 	snop  }
0x5: {  	_ = 	snop  }
0x6: {  	_ = 	snop  }
0x7: {  	_ = 	snop  }
__scs_overlays_trampoline_lowered:
0x8: {  	[smem:$0x3FA9] =	sst s0  }
0x9: {  	[smem:$0x3FAA] =	sst s1  }
0xa: {  	[smem:$0x3FAB] =	sst s2  }
0xb: {  	[smem:$0x3FAC] =	sst s3  }
0xc: {  	[smem:$0x3FAD] =	sst s4  }
0xd: {  	[smem:$0x3FAE] =	sst s5  }
0xe: {  	[smem:$0x3FAF] =	sst s6  }
0xf: {  	[smem:$0x3FB0] =	sst s7  }
0x10: {  	[smem:$0x3FB1] =	sst s8  }
0x11: {  	[smem:$0x3FB2] =	sst s9;
	s0 =	simm.s32 @!p0 $0x0  }
0x12: {  	s1 =	sld [smem:$0x3F98];
	s0 =	simm.s32 @p0 $0x1  }
0x13: {  	[smem:$0x3FB3] =	sst s0;
	s0 =	simm.s32 @!p1 $0x0  }
0x14: {  	s2 =	sld [smem:$0x3F97];
	s0 =	simm.s32 @p1 $0x1  }
0x15: {  	[smem:$0x3FB4] =	sst s0;
	s0 =	simm.s32 @!p2 $0x0  }
0x16: {  	s3 =	sld [smem:$0x3FDB];
	s0 =	simm.s32 @p2 $0x1  }
0x17: {  	s4 =	simm.s32 $0x1BF5;
	[smem:$0x3FB6] =	sst s0  }
0x18: {  	s0 =	sld [smem:$0x3F99];
	_ =	swait.ge [sflag:s4], $0x0  }
0x19: {  	s7 =	sld [smem:$0x3F9A]  }
0x1a: {  	s8 =	sadd.s32 $0xFFFFE003, lr  }
0x1b: {  	s9 =	sadd.s32 $0xFFFFFEF7, lr;
	s5 =	simm.s32 $0xFFFFFFFF;
	p2 =	slt.u32 s8, $0xFFFFF086  }
0x1c: {  	p1 =	slt.u32 s9, $0xF7A;
	s5 =	simm.s32 @!p2 $0x0  }
0x1d: {  	s5 =	simm.s32 @p1 $0x1;
	p0 =	seq.s32 s7, s2  }
0x1e: {  	s7 =	smul.u32 @!p0 $0xF7A, s2;
	p2 =	seq.s32 @!p0 s5, $0x0  }
0x1f: {  	s9 =	smul.u32 $0xF7A, s1;
	s8 =	simm.s32 @!p0 $0x1BF5;
	p2 =	por !p2, p0  }
0x20: {  	[sflag:s8] =	ssyncset.s32 @!p0 $0xFFFFF086;
	s6 =	sadd.s32 @!p0 s3, s7;
	s7 =	simm.s32 @!p0 $0x108  }
0x21: {  	s3 =	sadd.s32 s3, s9;
	s6 =	sadd.s32 @!p0 $0x88, s6;
	s7 =	simm.s32 @p2 $0x1082  }
0x22: {  	[simem:s7], [sflag:s8] =	dma.local @!p0 [hbm:s6], $0xF7A  }
0x23: {  	s9 =	sor.u32 $0xD0000000, s2;
	s6 =	simm.s32 $0x108;
	_ =	swait.ge @!p0 [sflag:s8], $0x0  }
0x24: {  	s3 =	sadd.s32 $0x88, s3;
	s6 =	simm.s32 @!p1 $0x1082;
	[sflag:s4] =	ssyncset.s32 $0xFFFFF086  }
0x25: {  	[simem:s6], [sflag:s4] =	dma.local [hbm:s3], $0xF7A  }
0x26: {  	[smem:$0x3F9A] =	sst s1;
	(tag) =	ssettag s2;
	_ =	strace s9  }
0x27: {  	s1 =	sld [smem:$0x3FAA]  }
0x28: {  	s2 =	sld [smem:$0x3FAB]  }
0x29: {  	s4 =	sld [smem:$0x3FAD]  }
0x2a: {  	p0 =	seq.s32 s5, $0x0;
	s5 =	sld [smem:$0x3FAE]  }
0x2b: {  	s6 =	sld [smem:$0x3FAF]  }
0x2c: {  	s7 =	sld [smem:$0x3FB0]  }
0x2d: {  	s3 =	simm.s32 $0x108;
	s8 =	sld [smem:$0x3FB1]  }
0x2e: {  	s3 =	simm.s32 @!p0 $0x1082;
	s9 =	sld [smem:$0x3FB2]  }
0x2f: {  	lr =	sadd.s32 s0, s3;
	s0 =	sld [smem:$0x3FA9]  }
0x30: {  	s3 =	sld [smem:$0x3FAC]  }
0x31: {  	[smem:$0x3FB5] =	sst s10  }
0x32: {  	s10 =	sld [smem:$0x3FB3];
	_ =	sdelay $0x3  }
0x33: {  	p0 =	seq.s32 s10, $0x1;
	s10 =	sld [smem:$0x3FB5];
	_ =	sdelay $0x3  }
0x34: {  	[smem:$0x3FB5] =	sst s10  }
0x35: {  	s10 =	sld [smem:$0x3FB4];
	_ =	sdelay $0x3  }
0x36: {  	p1 =	seq.s32 s10, $0x1;
	s10 =	sld [smem:$0x3FB5];
	_ =	sdelay $0x3  }
0x37: {  	[smem:$0x3FB5] =	sst s10  }
0x38: {  	s10 =	sld [smem:$0x3FB6]  }
0x39: {  	_ = 	snop;
	(pc) =	sbr.ind lr, $3  }
0x3a: {  	_ = 	snop  }
0x3b: {  	_ = 	snop  }
0x3c: {  	p2 =	seq.s32 s10, $0x1;
	s10 =	sld [smem:$0x3FB5]  }
0x3d: {  	_ =	shalt  }
0x3e: {  	_ =	shalt  }
0x3f: {  	_ =	shalt  }
0x40: {  	_ =	shalt  }
0x41: {  	_ =	shalt  }
0x42: {  	_ =	shalt  }
0x43: {  	_ =	shalt  }
0x44: {  	_ =	shalt  }
0x45: {  	_ =	shalt  }
0x46: {  	_ =	shalt  }
0x47: {  	_ =	shalt  }
0x48: {  	_ =	shalt  }
0x49: {  	_ =	shalt  }
0x4a: {  	_ =	shalt  }
0x4b: {  	_ =	shalt  }
0x4c: {  	_ =	shalt  }
0x4d: {  	_ =	shalt  }
0x4e: {  	_ =	shalt  }
0x4f: {  	_ =	shalt  }
0x50: {  	_ =	shalt  }
0x51: {  	_ =	shalt  }
0x52: {  	_ =	shalt  }
0x53: {  	_ =	shalt  }
0x54: {  	_ =	shalt  }
0x55: {  	_ =	shalt  }
0x56: {  	_ =	shalt  }
0x57: {  	_ =	shalt  }
0x58: {  	_ =	shalt  }
0x59: {  	_ =	shalt  }
0x5a: {  	_ =	shalt  }
0x5b: {  	_ =	shalt  }
0x5c: {  	_ =	shalt  }
0x5d: {  	_ =	shalt  }
0x5e: {  	_ =	shalt  }
0x5f: {  	_ =	shalt  }
0x60: {  	_ =	shalt  }
0x61: {  	_ =	shalt  }
0x62: {  	_ =	shalt  }
0x63: {  	_ =	shalt  }
0x64: {  	_ =	shalt  }
0x65: {  	_ =	shalt  }
0x66: {  	_ =	shalt  }
0x67: {  	_ =	shalt  }
0x68: {  	_ =	shalt  }
0x69: {  	_ =	shalt  }
0x6a: {  	_ =	shalt  }
0x6b: {  	_ =	shalt  }
0x6c: {  	_ =	shalt  }
0x6d: {  	_ =	shalt  }
0x6e: {  	_ =	shalt  }
0x6f: {  	_ =	shalt  }
0x70: {  	_ =	shalt  }
0x71: {  	_ =	shalt  }
0x72: {  	_ =	shalt  }
0x73: {  	_ =	shalt  }
0x74: {  	_ =	shalt  }
0x75: {  	_ =	shalt  }
0x76: {  	_ =	shalt  }
0x77: {  	_ =	shalt  }
0x78: {  	_ =	shalt  }
0x79: {  	_ =	shalt  }
0x7a: {  	_ =	shalt  }
0x7b: {  	_ =	shalt  }
0x7c: {  	_ =	shalt  }
0x7d: {  	_ =	shalt  }
0x7e: {  	_ =	shalt  }
0x7f: {  	_ =	shalt  }
0x80: {  	_ =	shalt  }
0x81: {  	_ =	shalt  }
0x82: {  	_ =	shalt  }
0x83: {  	_ =	shalt  }
0x84: {  	_ =	shalt  }
0x85: {  	_ =	shalt  }
0x86: {  	_ =	shalt  }
0x87: {  	_ =	shalt  }
.Lfunc_end0:
.L_simem_size_0:
called_computation.3_lowered:
.L_overlay_start_0:
0x88: {  	s2 =	sld [smem:$0x3FD9]  }
0x89: {  	s3 =	sld [smem:$0x3FFE];
	_ =	sdelay $0x1  }
0x8a: {  	s1 =	srdreg.scid  }
0x8b: {  	s0 =	sand.u32 $0x1, s1  }
0x8c: {  	s17 =	sshll.u32 s0, $0xA;
	s2 =	sadd.s32 s3, s2  }
0x8d: {  	s2 =	sadd.s32 s2, s17  }
0x8e: {  	[smem:$0x3FC1] =	sst s2  }
0x8f: {  	_ = 	snop  }
0x90: {  	(tm) =	ssettm $0x1  }
0x91: {  	s18 =	sld [smem:$0x3FFB];
	_ =	sdelay $0x3  }
0x92: {  	_ =	strace s18  }
0x93: {  	s2 =	sld [smem:$0x3FFC];
	_ =	sdelay $0x3  }
0x94: {  	_ =	strace s2  }
0x95: {  	s2 =	sld [smem:$0x3FFD];
	_ =	sdelay $0x3  }
0x96: {  	_ =	strace s2  }
0x97: {  	_ =	strace $0x8FFFFFFF  }
0x98: {  	s19 =	sld [smem:$0x3FDB];
	_ =	sdelay $0x1  }
0x99: {  	s20 =	simm.s32 $_scs_section_size  }
0x9a: {  	s4 =	simm.s32 $_size__tile_overlayer_lowered;
	s5 =	simm.s32 $_tile_overlayer_lowered  }
0x9b: {  	s6 =	simm.s32 $0x1BFF;
	s21 =	sshll.u32 s5, $0x1;
	s3 =	sadd.s32 s20, s19  }
0x9c: {  	s22 =	simm.s32 $0x0;
	s4 =	sshll.u32 s4, $0x1;
	s5 =	sadd.s32 s21, s3  }
0x9d: {  	[timem:s22], [sflag:s6] =	dma.local [hbm:s5], s4  }
0x9e: {  	_ =	swait.ge [sflag:s6], s4  }
0x9f: {  	s4 =	ssub.s32 $0x0, s4;
	[sflag:s6] =	ssyncset.done $0x0  }
0xa0: {  	[sflag:s6] =	ssyncadd.s32 s4;
	_ =	sdelay $0x1  }
0xa1: {  	s23 =	simm.s32 $0x1B8B  }
0xa2: {  	_ =	swait.ge [sflag:s23], $0x1  }
0xa3: {  	[sflag:s23] =	ssyncset.done $0x0  }
0xa4: {  	[sflag:s23] =	ssyncadd.s32 $0xFFFFFFFF  }
0xa5: {  	s4 =	sld [smem:$0x0]  }
0xa6: {  	s5 =	sand.u32 $0xFFFFFFFE, s1  }
0xa7: {  	p0 =	sne.s32 s1, s5  }
0xa8: {  	s5 =	sshll.u32 @p0 s5, $0xE  }
0xa9: {  	s5 =	sadd.s32 @p0 $0x11B8D, s5;
	s6 =	sshll.u32 @p0 s4, $0x11  }
0xaa: {  	s5 =	sor.u32 @p0 s6, s5  }
0xab: {  	[sflag:s5] =	ssyncadd.remote.s32 @p0 $0x1;
	_ =	sdelay $0x1  }
0xac: {  	s5 =	simm.s32 @p0 $0x1B8D  }
0xad: {  	_ =	swait.eq @p0 [sflag:s5], $0x1  }
0xae: {  	[sflag:s5] =	ssyncadd.s32 @p0 $0xFFFFFFFF  }
0xaf: {  	s6 =	sshll.u32 @!p0 s1, $0xE  }
0xb0: {  	s6 =	sor.u32 @!p0 $0x4000, s6;
	s5 =	simm.s32 @!p0 $0x1B8D  }
0xb1: {  	s4 =	sshll.u32 @!p0 s4, $0x11;
	s6 =	sadd.s32 @!p0 $0x11B8D, s6;
	_ =	swait.eq @!p0 [sflag:s5], $0x1  }
0xb2: {  	s4 =	sor.u32 @!p0 s4, s6;
	[sflag:s5] =	ssyncadd.s32 @!p0 $0xFFFFFFFF  }
0xb3: {  	s25 =	simm.s32 $0x1B8E;
	s24 =	sld [smem:$0x3FFE];
	[sflag:s4] =	ssyncadd.remote.s32 @!p0 $0x1  }
0xb4: {  	s26 =	simm.s32 $execute0_lowered;
	[smem:$0x3FD2] =	sst s25  }
0xb5: {  	s5 =	sshll.u32 s26, $0x1;
	_ =	strace $0x8000004F;
	[dreg:$0x1] =	wrdreg $0xFFFFFFFF  }
0xb6: {  	s28 =	simm.s32 $_size_execute0_lowered;
	s3 =	sadd.s32 s3, s5;
	[dreg:$0x0] =	wrdreg $0x0  }
0xb7: {  	s5 =	sshll.u32 s28, $0x1;
	[dreg:$0x2] =	wrdreg s3  }
0xb8: {  	[dreg:$0x3] =	wrdreg s5  }
0xb9: {  	[dreg:$0x4] =	wrdreg $0xC0  }
0xba: {  	_ =	task [dreg:s22], $0x5FFFF  }
0xbb: {  	[dreg:$0x1] =	wrdreg $0xFFFFFFFF  }
0xbc: {  	[dreg:$0x0] =	wrdreg $0x60  }
0xbd: {  	[dreg:$0x2] =	wrdreg s24  }
0xbe: {  	[dreg:$0x3] =	wrdreg $0xC  }
0xbf: {  	_ =	task.clear_ibuf [dreg:s22], $0x4FFFF;
	_ =	strace $0x9000004F  }
0xc0: {  	s29 =	simm.s32 $0xC;
	_ =	strace $0x80000051  }
0xc1: {  	_ =	swait.ge [sflag:s29], $0x1  }
0xc2: {  	[sflag:s29] =	ssyncadd.s32 $0xFFFFFFFF  }
0xc3: {  	_ =	strace $0x90000051  }
0xc4: {  	_ =	sfence  }
0xc5: {  	s30 =	sld [smem:$0x0];
	_ =	sdelay $0x2  }
0xc6: {  	s31 =	sshll.u32 s1, $0xD;
	s1 =	sshrl.u32 s1, $0x2  }
0xc7: {  	s4 =	sand.u32 $0x4000, s31;
	s1 =	sadd.s32 s1, s30  }
0xc8: {  	s0 =	sor.u32 s4, s0;
	s1 =	sshll.u32 s1, $0x11  }
0xc9: {  	s0 =	sor.u32 s1, s0  }
0xca: {  	s0 =	sadd.s32 $0x8F2B, s0  }
0xcb: {  	[sflag:s0] =	ssyncadd.remote.s32 $0x1  }
0xcc: {  	_ =	sfence.sel $0xFFFF  }
0xcd: {  	[dreg:$0x0] =	wrdreg $0xFFFFFFFF;
	(pc) =	sbr.abs _section_cstart, $3  }
0xce: {  	[dreg:$0x1] =	wrdreg $0xFFFFFFFF  }
0xcf: {  	_ =	task.clear_ibuf [dreg:s22], $0x2FFFF;
	_ =	strace $0x9FFFFFFF  }
0xd0: {  	(tm) =	ssettm $0x7FFFFFFF  }
0xd1: {  	_ =	shalt  }
tec
execute0_lowered:
.L_overlay_start_1:
0x0: {  	(tag) =	ssettag $0x1  }
0x1: {  	s1 =	srdreg.scid;
	s0 =	stileid.u32  }
0x2: {  	s12 =	sand.u32 $0x1, s1;
	s29 =	sshll.u32 s0, $0x1  }
0x3: {  	s6 =	sor.u32 s12, s29  }
0x4: {  	s8 =	rddreg [dreg:$0x0];
	s11 =	smul.u32 $0x500, s6  }
0x5: {  	s2 =	simm.s32 $0x0;
	s1 =	rddreg [dreg:$0x1]  }
0x6: {  	[smem:$0x7FF] =	sst s2;
	s13 =	sadd.s32 $0x22D200, s8;
	s3 =	sshrl.u32 s11, $0x3  }
0x7: {  	_ =	strace $0x80000050;
	s4 =	sadd.s32 s13, s3;
	s3 =	simm.s32 $0x2  }
0x8: {  	[tilespmem:s2], [sflag:$0x2] =	stream.linear.gather [hbm4b:s4+s2], $0x280, $0x38;
	[tilespmem:$0xA280] =	vst v63  }
0x9: {  	_ =	swait.ge [sflag:s3], $0x280  }
0xa: {  	s7 =	simm.s32 $0x1;
	s5 =	sadd.s32 $0x4000, s8;
	[sflag:s3] =	ssyncset.done $0x0  }
0xb: {  	s9 =	smul.u32 $0x5000, s6;
	s6 =	simm.s32 $0x280;
	[sflag:s3] =	ssyncadd.s32 $0xFFFFFD80  }
0xc: {  	[tilespmem:s6], [sflag:$0x1] =	stream.indirect.gather [hbm4b:s5+s6], $0x40, s2, s6, $0xb8;
	[tilespmem:$0xA280] =	vst v63  }
0xd: {  	_ =	swait.ge [sflag:s7], $0xA000  }
0xe: {  	s10 =	simm.s32 $0x80;
	s14 =	sadd.s32 $0x36FA00, s8;
	[sflag:s7] =	ssyncset.done $0x0  }
0xf: {  	s8 =	sadd.s32 s14, s9;
	s9 =	simm.s32 $0x40;
	[sflag:s7] =	ssyncadd.s32 $0xFFFF6000  }
0x10: {  	[hbm4b:s8+s9] =	stream.strided.scatter [tilespmem:s6], [sflag:$0x2], $0xA000, s10, s9, $0x38;
	[tilespmem:$0xA280] =	vst v63  }
0x11: {  	s15 =	sadd.s32 $0x280, s11;
	_ =	swait.ge [sflag:s3], $0xA000  }
0x12: {  	s11 =	sshrl.u32 s15, $0x3;
	[sflag:s3] =	ssyncset.done $0x0  }
0x13: {  	s12 =	ssub.s32 $0x2, s12;
	s11 =	sadd.s32 s13, s11;
	[sflag:s3] =	ssyncadd.s32 $0xFFFF6000  }
0x14: {  	[tilespmem:s2], [sflag:$0x2] =	stream.linear.gather [hbm4b:s11+s2], $0x280, $0x38;
	[tilespmem:$0xA280] =	vst v63  }
0x15: {  	s30 =	sshrl.u32 s12, $0x1;
	_ =	swait.ge [sflag:s3], $0x280  }
0x16: {  	s13 =	ssub.s32 s12, s30;
	[sflag:s3] =	ssyncset.done $0x0  }
0x17: {  	s13 =	smax.u32 s13, $0x1;
	[sflag:s3] =	ssyncadd.s32 $0xFFFFFD80  }
0x18: {  	[tilespmem:s6], [sflag:$0x1] =	stream.indirect.gather [hbm4b:s5+s6], $0x40, s2, s6, $0xb8;
	[tilespmem:$0xA280] =	vst v63  }
0x19: {  	p0 =	sne.s32 s13, $0x1;
	_ =	swait.ge [sflag:s7], $0xA000  }
.Ltmp0:
0x1a: {  	s31 =	sshll.u32 s15, $0x4;
	[sflag:s7] =	ssyncset.done $0x0;
	(pc) =	sbr.rel @!p0 .LBB2_2-.Ltmp0, $4  }
0x1b: {  	s12 =	sadd.s32 s14, s31;
	[sflag:s7] =	ssyncadd.s32 $0xFFFF6000  }
0x1c: {  	[hbm4b:s12+s9] =	stream.strided.scatter [tilespmem:s6], [sflag:$0x2], $0xA000, s10, s9, $0x38;
	[tilespmem:$0xA280] =	vst v63  }
0x1d: {  	_ =	swait.ge [sflag:s3], $0xA000  }
0x1e: {  	s13 =	sadd.s32 $0xFFFFFFFF, s13;
	[sflag:s3] =	ssyncset.done $0x0  }
.LBB2_1:
0x1f: {  	p0 =	sne.s32 s13, $0x1;
	s13 =	sadd.s32 $0xFFFFFFFF, s13;
	[sflag:s3] =	ssyncadd.s32 $0xFFFF6000  }
0x20: {  	[tilespmem:s2], [sflag:$0x2] =	stream.linear.gather [hbm4b:s4+s2], $0x280, $0x38;
	[tilespmem:$0xA280] =	vst v63  }
0x21: {  	_ =	swait.ge [sflag:s3], $0x280  }
0x22: {  	[sflag:s3] =	ssyncset.done $0x0  }
0x23: {  	[sflag:s3] =	ssyncadd.s32 $0xFFFFFD80  }
0x24: {  	[tilespmem:s6], [sflag:$0x1] =	stream.indirect.gather [hbm4b:s5+s6], $0x40, s2, s6, $0xb8;
	[tilespmem:$0xA280] =	vst v63  }
0x25: {  	_ =	swait.ge [sflag:s7], $0xA000  }
0x26: {  	[sflag:s7] =	ssyncset.done $0x0  }
0x27: {  	[sflag:s7] =	ssyncadd.s32 $0xFFFF6000  }
0x28: {  	[hbm4b:s8+s9] =	stream.strided.scatter [tilespmem:s6], [sflag:$0x2], $0xA000, s10, s9, $0x38;
	[tilespmem:$0xA280] =	vst v63  }
0x29: {  	_ =	swait.ge [sflag:s3], $0xA000  }
0x2a: {  	[sflag:s3] =	ssyncset.done $0x0  }
0x2b: {  	[sflag:s3] =	ssyncadd.s32 $0xFFFF6000  }
0x2c: {  	[tilespmem:s2], [sflag:$0x2] =	stream.linear.gather [hbm4b:s11+s2], $0x280, $0x38;
	[tilespmem:$0xA280] =	vst v63  }
0x2d: {  	_ =	swait.ge [sflag:s3], $0x280  }
0x2e: {  	[sflag:s3] =	ssyncset.done $0x0  }
0x2f: {  	[sflag:s3] =	ssyncadd.s32 $0xFFFFFD80  }
0x30: {  	[tilespmem:s6], [sflag:$0x1] =	stream.indirect.gather [hbm4b:s5+s6], $0x40, s2, s6, $0xb8;
	[tilespmem:$0xA280] =	vst v63  }
0x31: {  	_ =	swait.ge [sflag:s7], $0xA000  }
.Ltmp1:
0x32: {  	[sflag:s7] =	ssyncset.done $0x0;
	(pc) =	sbr.rel @p0 .LBB2_1-.Ltmp1, $4  }
0x33: {  	[sflag:s7] =	ssyncadd.s32 $0xFFFF6000  }
0x34: {  	[hbm4b:s12+s9] =	stream.strided.scatter [tilespmem:s6], [sflag:$0x2], $0xA000, s10, s9, $0x38;
	[tilespmem:$0xA280] =	vst v63  }
0x35: {  	_ =	swait.ge [sflag:s3], $0xA000  }
0x36: {  	[sflag:s3] =	ssyncset.done $0x0  }
.LBB2_2:
0x37: {  	[sflag:s3] =	ssyncadd.s32 $0xFFFF6000  }
0x38: {  	_ =	sfence.sel $0x180000  }
0x39: {  	[bflag:$0x0] =	sbarrier.arrive $0xFFFF  }
0x3a: {  	p0 =	sne.s32 s0, $0x0;
	_ =	strace $0x90000050  }
0x3b: {  	s0 =	sadd.s32 @!p0 $0x100000, s1;
	[bflag:$0x2] =	sbarrier.arrive $0xFFFF  }
0x3c: {  	[sflag:s0] =	ssyncadd.tile.s32 @!p0 $0x1;
	_ =	shalt  }
.Lfunc_end2:
_tile_overlayer_lowered:
.L_overlay_start_2:
0x3d: {  	(tag) =	ssettag $0x2  }
0x3e: {  	s0 =	rddreg [dreg:$0x0];
	s2 =	stileid.u32  }
0x3f: {  	s1 =	rddreg [dreg:$0x1];
	p0 =	sne.s32 s2, $0x0  }
0x40: {  	s3 =	rddreg [dreg:$0x2];
	[bflag:$0x3] =	sbarrier.arrive $0xFFFF;
	s2 =	simm.s32 @!p0 $0x1C02  }
0x41: {  	[timem:s3], [sflag:s2] =	dma.local @!p0 [hbm:s0], s1  }
0x42: {  	s0 =	simm.s32 @!p0 $0x2  }
0x43: {  	_ =	swait.ge @!p0 [sflag:s0], s1  }
0x44: {  	s1 =	ssub.s32 @!p0 $0x0, s1;
	[sflag:s0] =	ssyncset.done @!p0 $0x0  }
0x45: {  	[sflag:s0] =	ssyncadd.s32 @!p0 s1  }
0x46: {  	[bflag:$0x3] =	sbarrier.arrive $0xFFFF  }
0x47: {  	_ =	shalt  }

// kernel: kernel.24.cloned.1.call-start
scs
__scs_entry_jumppad:
0x0: {  	(pc) =	sbr.rel $0x88, $3  }
0x1: {  	(tag) =	ssettag $0x0;
	lr =	simm.s32 $0x1  }
0x2: {  	[smem:$0x3F9A] =	sst lr;
	_ =	strace $0xD0000000  }
0x3: {  	_ = 	snop  }
0x4: {  	_ = 	snop  }
0x5: {  	_ = 	snop  }
0x6: {  	_ = 	snop  }
0x7: {  	_ = 	snop  }
__scs_overlays_trampoline_lowered:
0x8: {  	[smem:$0x3FA9] =	sst s0  }
0x9: {  	[smem:$0x3FAA] =	sst s1  }
0xa: {  	[smem:$0x3FAB] =	sst s2  }
0xb: {  	[smem:$0x3FAC] =	sst s3  }
0xc: {  	[smem:$0x3FAD] =	sst s4  }
0xd: {  	[smem:$0x3FAE] =	sst s5  }
0xe: {  	[smem:$0x3FAF] =	sst s6  }
0xf: {  	[smem:$0x3FB0] =	sst s7  }
0x10: {  	[smem:$0x3FB1] =	sst s8  }
0x11: {  	[smem:$0x3FB2] =	sst s9;
	s0 =	simm.s32 @!p0 $0x0  }
0x12: {  	s1 =	sld [smem:$0x3F98];
	s0 =	simm.s32 @p0 $0x1  }
0x13: {  	[smem:$0x3FB3] =	sst s0;
	s0 =	simm.s32 @!p1 $0x0  }
0x14: {  	s2 =	sld [smem:$0x3F97];
	s0 =	simm.s32 @p1 $0x1  }
0x15: {  	[smem:$0x3FB4] =	sst s0;
	s0 =	simm.s32 @!p2 $0x0  }
0x16: {  	s3 =	sld [smem:$0x3FDB];
	s0 =	simm.s32 @p2 $0x1  }
0x17: {  	s4 =	simm.s32 $0x1BF5;
	[smem:$0x3FB6] =	sst s0  }
0x18: {  	s0 =	sld [smem:$0x3F99];
	_ =	swait.ge [sflag:s4], $0x0  }
0x19: {  	s7 =	sld [smem:$0x3F9A]  }
0x1a: {  	s8 =	sadd.s32 $0xFFFFE003, lr  }
0x1b: {  	s9 =	sadd.s32 $0xFFFFFEF7, lr;
	s5 =	simm.s32 $0xFFFFFFFF;
	p2 =	slt.u32 s8, $0xFFFFF086  }
0x1c: {  	p1 =	slt.u32 s9, $0xF7A;
	s5 =	simm.s32 @!p2 $0x0  }
0x1d: {  	s5 =	simm.s32 @p1 $0x1;
	p0 =	seq.s32 s7, s2  }
0x1e: {  	s7 =	smul.u32 @!p0 $0xF7A, s2;
	p2 =	seq.s32 @!p0 s5, $0x0  }
0x1f: {  	s9 =	smul.u32 $0xF7A, s1;
	s8 =	simm.s32 @!p0 $0x1BF5;
	p2 =	por !p2, p0  }
0x20: {  	[sflag:s8] =	ssyncset.s32 @!p0 $0xFFFFF086;
	s6 =	sadd.s32 @!p0 s3, s7;
	s7 =	simm.s32 @!p0 $0x108  }
0x21: {  	s3 =	sadd.s32 s3, s9;
	s6 =	sadd.s32 @!p0 $0x88, s6;
	s7 =	simm.s32 @p2 $0x1082  }
0x22: {  	[simem:s7], [sflag:s8] =	dma.local @!p0 [hbm:s6], $0xF7A  }
0x23: {  	s9 =	sor.u32 $0xD0000000, s2;
	s6 =	simm.s32 $0x108;
	_ =	swait.ge @!p0 [sflag:s8], $0x0  }
0x24: {  	s3 =	sadd.s32 $0x88, s3;
	s6 =	simm.s32 @!p1 $0x1082;
	[sflag:s4] =	ssyncset.s32 $0xFFFFF086  }
0x25: {  	[simem:s6], [sflag:s4] =	dma.local [hbm:s3], $0xF7A  }
0x26: {  	[smem:$0x3F9A] =	sst s1;
	(tag) =	ssettag s2;
	_ =	strace s9  }
0x27: {  	s1 =	sld [smem:$0x3FAA]  }
0x28: {  	s2 =	sld [smem:$0x3FAB]  }
0x29: {  	s4 =	sld [smem:$0x3FAD]  }
0x2a: {  	p0 =	seq.s32 s5, $0x0;
	s5 =	sld [smem:$0x3FAE]  }
0x2b: {  	s6 =	sld [smem:$0x3FAF]  }
0x2c: {  	s7 =	sld [smem:$0x3FB0]  }
0x2d: {  	s3 =	simm.s32 $0x108;
	s8 =	sld [smem:$0x3FB1]  }
0x2e: {  	s3 =	simm.s32 @!p0 $0x1082;
	s9 =	sld [smem:$0x3FB2]  }
0x2f: {  	lr =	sadd.s32 s0, s3;
	s0 =	sld [smem:$0x3FA9]  }
0x30: {  	s3 =	sld [smem:$0x3FAC]  }
0x31: {  	[smem:$0x3FB5] =	sst s10  }
0x32: {  	s10 =	sld [smem:$0x3FB3];
	_ =	sdelay $0x3  }
0x33: {  	p0 =	seq.s32 s10, $0x1;
	s10 =	sld [smem:$0x3FB5];
	_ =	sdelay $0x3  }
0x34: {  	[smem:$0x3FB5] =	sst s10  }
0x35: {  	s10 =	sld [smem:$0x3FB4];
	_ =	sdelay $0x3  }
0x36: {  	p1 =	seq.s32 s10, $0x1;
	s10 =	sld [smem:$0x3FB5];
	_ =	sdelay $0x3  }
0x37: {  	[smem:$0x3FB5] =	sst s10  }
0x38: {  	s10 =	sld [smem:$0x3FB6]  }
0x39: {  	_ = 	snop;
	(pc) =	sbr.ind lr, $3  }
0x3a: {  	_ = 	snop  }
0x3b: {  	_ = 	snop  }
0x3c: {  	p2 =	seq.s32 s10, $0x1;
	s10 =	sld [smem:$0x3FB5]  }
0x3d: {  	_ =	shalt  }
0x3e: {  	_ =	shalt  }
0x3f: {  	_ =	shalt  }
0x40: {  	_ =	shalt  }
0x41: {  	_ =	shalt  }
0x42: {  	_ =	shalt  }
0x43: {  	_ =	shalt  }
0x44: {  	_ =	shalt  }
0x45: {  	_ =	shalt  }
0x46: {  	_ =	shalt  }
0x47: {  	_ =	shalt  }
0x48: {  	_ =	shalt  }
0x49: {  	_ =	shalt  }
0x4a: {  	_ =	shalt  }
0x4b: {  	_ =	shalt  }
0x4c: {  	_ =	shalt  }
0x4d: {  	_ =	shalt  }
0x4e: {  	_ =	shalt  }
0x4f: {  	_ =	shalt  }
0x50: {  	_ =	shalt  }
0x51: {  	_ =	shalt  }
0x52: {  	_ =	shalt  }
0x53: {  	_ =	shalt  }
0x54: {  	_ =	shalt  }
0x55: {  	_ =	shalt  }
0x56: {  	_ =	shalt  }
0x57: {  	_ =	shalt  }
0x58: {  	_ =	shalt  }
0x59: {  	_ =	shalt  }
0x5a: {  	_ =	shalt  }
0x5b: {  	_ =	shalt  }
0x5c: {  	_ =	shalt  }
0x5d: {  	_ =	shalt  }
0x5e: {  	_ =	shalt  }
0x5f: {  	_ =	shalt  }
0x60: {  	_ =	shalt  }
0x61: {  	_ =	shalt  }
0x62: {  	_ =	shalt  }
0x63: {  	_ =	shalt  }
0x64: {  	_ =	shalt  }
0x65: {  	_ =	shalt  }
0x66: {  	_ =	shalt  }
0x67: {  	_ =	shalt  }
0x68: {  	_ =	shalt  }
0x69: {  	_ =	shalt  }
0x6a: {  	_ =	shalt  }
0x6b: {  	_ =	shalt  }
0x6c: {  	_ =	shalt  }
0x6d: {  	_ =	shalt  }
0x6e: {  	_ =	shalt  }
0x6f: {  	_ =	shalt  }
0x70: {  	_ =	shalt  }
0x71: {  	_ =	shalt  }
0x72: {  	_ =	shalt  }
0x73: {  	_ =	shalt  }
0x74: {  	_ =	shalt  }
0x75: {  	_ =	shalt  }
0x76: {  	_ =	shalt  }
0x77: {  	_ =	shalt  }
0x78: {  	_ =	shalt  }
0x79: {  	_ =	shalt  }
0x7a: {  	_ =	shalt  }
0x7b: {  	_ =	shalt  }
0x7c: {  	_ =	shalt  }
0x7d: {  	_ =	shalt  }
0x7e: {  	_ =	shalt  }
0x7f: {  	_ =	shalt  }
0x80: {  	_ =	shalt  }
0x81: {  	_ =	shalt  }
0x82: {  	_ =	shalt  }
0x83: {  	_ =	shalt  }
0x84: {  	_ =	shalt  }
0x85: {  	_ =	shalt  }
0x86: {  	_ =	shalt  }
0x87: {  	_ =	shalt  }
.Lfunc_end0:
.L_simem_size_0:
called_computation.4_lowered:
.L_overlay_start_0:
0x88: {  	s2 =	sld [smem:$0x3FD9]  }
0x89: {  	s3 =	sld [smem:$0x3FFE];
	_ =	sdelay $0x1  }
0x8a: {  	s1 =	srdreg.scid  }
0x8b: {  	s0 =	sand.u32 $0x1, s1  }
0x8c: {  	s17 =	sshll.u32 s0, $0xA;
	s2 =	sadd.s32 s3, s2  }
0x8d: {  	s2 =	sadd.s32 s2, s17  }
0x8e: {  	[smem:$0x3FC1] =	sst s2  }
0x8f: {  	_ = 	snop  }
0x90: {  	(tm) =	ssettm $0x1  }
0x91: {  	s18 =	sld [smem:$0x3FFB];
	_ =	sdelay $0x3  }
0x92: {  	_ =	strace s18  }
0x93: {  	s2 =	sld [smem:$0x3FFC];
	_ =	sdelay $0x3  }
0x94: {  	_ =	strace s2  }
0x95: {  	s2 =	sld [smem:$0x3FFD];
	_ =	sdelay $0x3  }
0x96: {  	_ =	strace s2  }
0x97: {  	_ =	strace $0x8FFFFFFF  }
0x98: {  	s19 =	sld [smem:$0x3FDB];
	_ =	sdelay $0x1  }
0x99: {  	s20 =	simm.s32 $_scs_section_size  }
0x9a: {  	s4 =	simm.s32 $_size__tile_overlayer_lowered;
	s5 =	simm.s32 $_tile_overlayer_lowered  }
0x9b: {  	s6 =	simm.s32 $0x1BFF;
	s21 =	sshll.u32 s5, $0x1;
	s3 =	sadd.s32 s20, s19  }
0x9c: {  	s22 =	simm.s32 $0x0;
	s4 =	sshll.u32 s4, $0x1;
	s5 =	sadd.s32 s21, s3  }
0x9d: {  	[timem:s22], [sflag:s6] =	dma.local [hbm:s5], s4  }
0x9e: {  	_ =	swait.ge [sflag:s6], s4  }
0x9f: {  	s4 =	ssub.s32 $0x0, s4;
	[sflag:s6] =	ssyncset.done $0x0  }
0xa0: {  	[sflag:s6] =	ssyncadd.s32 s4;
	_ =	sdelay $0x1  }
0xa1: {  	s23 =	simm.s32 $0x1B8B  }
0xa2: {  	_ =	swait.ge [sflag:s23], $0x1  }
0xa3: {  	[sflag:s23] =	ssyncset.done $0x0  }
0xa4: {  	[sflag:s23] =	ssyncadd.s32 $0xFFFFFFFF  }
0xa5: {  	s4 =	sld [smem:$0x0]  }
0xa6: {  	s5 =	sand.u32 $0xFFFFFFFE, s1  }
0xa7: {  	p0 =	sne.s32 s1, s5  }
0xa8: {  	s5 =	sshll.u32 @p0 s5, $0xE  }
0xa9: {  	s5 =	sadd.s32 @p0 $0x11B8D, s5;
	s6 =	sshll.u32 @p0 s4, $0x11  }
0xaa: {  	s5 =	sor.u32 @p0 s6, s5  }
0xab: {  	[sflag:s5] =	ssyncadd.remote.s32 @p0 $0x1;
	_ =	sdelay $0x1  }
0xac: {  	s5 =	simm.s32 @p0 $0x1B8D  }
0xad: {  	_ =	swait.eq @p0 [sflag:s5], $0x1  }
0xae: {  	[sflag:s5] =	ssyncadd.s32 @p0 $0xFFFFFFFF  }
0xaf: {  	s6 =	sshll.u32 @!p0 s1, $0xE  }
0xb0: {  	s6 =	sor.u32 @!p0 $0x4000, s6;
	s5 =	simm.s32 @!p0 $0x1B8D  }
0xb1: {  	s4 =	sshll.u32 @!p0 s4, $0x11;
	s6 =	sadd.s32 @!p0 $0x11B8D, s6;
	_ =	swait.eq @!p0 [sflag:s5], $0x1  }
0xb2: {  	s4 =	sor.u32 @!p0 s4, s6;
	[sflag:s5] =	ssyncadd.s32 @!p0 $0xFFFFFFFF  }
0xb3: {  	s25 =	simm.s32 $0x1B8E;
	s24 =	sld [smem:$0x3FFE];
	[sflag:s4] =	ssyncadd.remote.s32 @!p0 $0x1  }
0xb4: {  	s26 =	simm.s32 $execute0_lowered;
	[smem:$0x3FD2] =	sst s25  }
0xb5: {  	s5 =	sshll.u32 s26, $0x1;
	_ =	strace $0x80000052;
	[dreg:$0x1] =	wrdreg $0xFFFFFFFF  }
0xb6: {  	s28 =	simm.s32 $_size_execute0_lowered;
	s3 =	sadd.s32 s3, s5;
	[dreg:$0x0] =	wrdreg $0x0  }
0xb7: {  	s5 =	sshll.u32 s28, $0x1;
	[dreg:$0x2] =	wrdreg s3  }
0xb8: {  	[dreg:$0x3] =	wrdreg s5  }
0xb9: {  	[dreg:$0x4] =	wrdreg $0xC0  }
0xba: {  	_ =	task [dreg:s22], $0x5FFFF  }
0xbb: {  	[dreg:$0x1] =	wrdreg $0xFFFFFFFF  }
0xbc: {  	[dreg:$0x0] =	wrdreg $0x60  }
0xbd: {  	[dreg:$0x2] =	wrdreg s24  }
0xbe: {  	[dreg:$0x3] =	wrdreg $0xD  }
0xbf: {  	_ =	task.clear_ibuf [dreg:s22], $0x4FFFF;
	_ =	strace $0x90000052  }
0xc0: {  	s29 =	simm.s32 $0xD;
	_ =	strace $0x80000054  }
0xc1: {  	_ =	swait.ge [sflag:s29], $0x1  }
0xc2: {  	[sflag:s29] =	ssyncadd.s32 $0xFFFFFFFF  }
0xc3: {  	_ =	strace $0x90000054  }
0xc4: {  	_ =	sfence  }
0xc5: {  	s30 =	sld [smem:$0x0];
	_ =	sdelay $0x2  }
0xc6: {  	s31 =	sshll.u32 s1, $0xD;
	s1 =	sshrl.u32 s1, $0x2  }
0xc7: {  	s4 =	sand.u32 $0x4000, s31;
	s1 =	sadd.s32 s1, s30  }
0xc8: {  	s0 =	sor.u32 s4, s0;
	s1 =	sshll.u32 s1, $0x11  }
0xc9: {  	s0 =	sor.u32 s1, s0  }
0xca: {  	s0 =	sadd.s32 $0x8F2B, s0  }
0xcb: {  	[sflag:s0] =	ssyncadd.remote.s32 $0x1  }
0xcc: {  	_ =	sfence.sel $0xFFFF  }
0xcd: {  	[dreg:$0x0] =	wrdreg $0xFFFFFFFF;
	(pc) =	sbr.abs _section_cstart, $3  }
0xce: {  	[dreg:$0x1] =	wrdreg $0xFFFFFFFF  }
0xcf: {  	_ =	task.clear_ibuf [dreg:s22], $0x2FFFF;
	_ =	strace $0x9FFFFFFF  }
0xd0: {  	(tm) =	ssettm $0x7FFFFFFF  }
0xd1: {  	_ =	shalt  }
tec
execute0_lowered:
.L_overlay_start_1:
0x0: {  	(tag) =	ssettag $0x1  }
0x1: {  	s1 =	srdreg.scid;
	s0 =	stileid.u32  }
0x2: {  	s12 =	sand.u32 $0x1, s1;
	s29 =	sshll.u32 s0, $0x1  }
0x3: {  	s6 =	sor.u32 s12, s29  }
0x4: {  	s8 =	rddreg [dreg:$0x0];
	s11 =	smul.u32 $0x500, s6  }
0x5: {  	s2 =	simm.s32 $0x0;
	s1 =	rddreg [dreg:$0x1]  }
0x6: {  	[smem:$0x7FF] =	sst s2;
	s13 =	sadd.s32 $0x22E600, s8;
	s3 =	sshrl.u32 s11, $0x3  }
0x7: {  	_ =	strace $0x80000053;
	s4 =	sadd.s32 s13, s3;
	s3 =	simm.s32 $0x2  }
0x8: {  	[tilespmem:s2], [sflag:$0x2] =	stream.linear.gather [hbm4b:s4+s2], $0x280, $0x38;
	[tilespmem:$0xA280] =	vst v63  }
0x9: {  	_ =	swait.ge [sflag:s3], $0x280  }
0xa: {  	s7 =	simm.s32 $0x1;
	s5 =	sadd.s32 $0x4000, s8;
	[sflag:s3] =	ssyncset.done $0x0  }
0xb: {  	s9 =	smul.u32 $0x5000, s6;
	s6 =	simm.s32 $0x280;
	[sflag:s3] =	ssyncadd.s32 $0xFFFFFD80  }
0xc: {  	[tilespmem:s6], [sflag:$0x1] =	stream.indirect.gather [hbm4b:s5+s6], $0x40, s2, s6, $0xb8;
	[tilespmem:$0xA280] =	vst v63  }
0xd: {  	_ =	swait.ge [sflag:s7], $0xA000  }
0xe: {  	s10 =	simm.s32 $0x80;
	s14 =	sadd.s32 $0x40FA00, s8;
	[sflag:s7] =	ssyncset.done $0x0  }
0xf: {  	s8 =	sadd.s32 s14, s9;
	s9 =	simm.s32 $0x40;
	[sflag:s7] =	ssyncadd.s32 $0xFFFF6000  }
0x10: {  	[hbm4b:s8+s9] =	stream.strided.scatter [tilespmem:s6], [sflag:$0x2], $0xA000, s10, s9, $0x38;
	[tilespmem:$0xA280] =	vst v63  }
0x11: {  	s15 =	sadd.s32 $0x280, s11;
	_ =	swait.ge [sflag:s3], $0xA000  }
0x12: {  	s11 =	sshrl.u32 s15, $0x3;
	[sflag:s3] =	ssyncset.done $0x0  }
0x13: {  	s12 =	ssub.s32 $0x2, s12;
	s11 =	sadd.s32 s13, s11;
	[sflag:s3] =	ssyncadd.s32 $0xFFFF6000  }
0x14: {  	[tilespmem:s2], [sflag:$0x2] =	stream.linear.gather [hbm4b:s11+s2], $0x280, $0x38;
	[tilespmem:$0xA280] =	vst v63  }
0x15: {  	s30 =	sshrl.u32 s12, $0x1;
	_ =	swait.ge [sflag:s3], $0x280  }
0x16: {  	s13 =	ssub.s32 s12, s30;
	[sflag:s3] =	ssyncset.done $0x0  }
0x17: {  	s13 =	smax.u32 s13, $0x1;
	[sflag:s3] =	ssyncadd.s32 $0xFFFFFD80  }
0x18: {  	[tilespmem:s6], [sflag:$0x1] =	stream.indirect.gather [hbm4b:s5+s6], $0x40, s2, s6, $0xb8;
	[tilespmem:$0xA280] =	vst v63  }
0x19: {  	p0 =	sne.s32 s13, $0x1;
	_ =	swait.ge [sflag:s7], $0xA000  }
.Ltmp0:
0x1a: {  	s31 =	sshll.u32 s15, $0x4;
	[sflag:s7] =	ssyncset.done $0x0;
	(pc) =	sbr.rel @!p0 .LBB2_2-.Ltmp0, $4  }
0x1b: {  	s12 =	sadd.s32 s14, s31;
	[sflag:s7] =	ssyncadd.s32 $0xFFFF6000  }
0x1c: {  	[hbm4b:s12+s9] =	stream.strided.scatter [tilespmem:s6], [sflag:$0x2], $0xA000, s10, s9, $0x38;
	[tilespmem:$0xA280] =	vst v63  }
0x1d: {  	_ =	swait.ge [sflag:s3], $0xA000  }
0x1e: {  	s13 =	sadd.s32 $0xFFFFFFFF, s13;
	[sflag:s3] =	ssyncset.done $0x0  }
.LBB2_1:
0x1f: {  	p0 =	sne.s32 s13, $0x1;
	s13 =	sadd.s32 $0xFFFFFFFF, s13;
	[sflag:s3] =	ssyncadd.s32 $0xFFFF6000  }
0x20: {  	[tilespmem:s2], [sflag:$0x2] =	stream.linear.gather [hbm4b:s4+s2], $0x280, $0x38;
	[tilespmem:$0xA280] =	vst v63  }
0x21: {  	_ =	swait.ge [sflag:s3], $0x280  }
0x22: {  	[sflag:s3] =	ssyncset.done $0x0  }
0x23: {  	[sflag:s3] =	ssyncadd.s32 $0xFFFFFD80  }
0x24: {  	[tilespmem:s6], [sflag:$0x1] =	stream.indirect.gather [hbm4b:s5+s6], $0x40, s2, s6, $0xb8;
	[tilespmem:$0xA280] =	vst v63  }
0x25: {  	_ =	swait.ge [sflag:s7], $0xA000  }
0x26: {  	[sflag:s7] =	ssyncset.done $0x0  }
0x27: {  	[sflag:s7] =	ssyncadd.s32 $0xFFFF6000  }
0x28: {  	[hbm4b:s8+s9] =	stream.strided.scatter [tilespmem:s6], [sflag:$0x2], $0xA000, s10, s9, $0x38;
	[tilespmem:$0xA280] =	vst v63  }
0x29: {  	_ =	swait.ge [sflag:s3], $0xA000  }
0x2a: {  	[sflag:s3] =	ssyncset.done $0x0  }
0x2b: {  	[sflag:s3] =	ssyncadd.s32 $0xFFFF6000  }
0x2c: {  	[tilespmem:s2], [sflag:$0x2] =	stream.linear.gather [hbm4b:s11+s2], $0x280, $0x38;
	[tilespmem:$0xA280] =	vst v63  }
0x2d: {  	_ =	swait.ge [sflag:s3], $0x280  }
0x2e: {  	[sflag:s3] =	ssyncset.done $0x0  }
0x2f: {  	[sflag:s3] =	ssyncadd.s32 $0xFFFFFD80  }
0x30: {  	[tilespmem:s6], [sflag:$0x1] =	stream.indirect.gather [hbm4b:s5+s6], $0x40, s2, s6, $0xb8;
	[tilespmem:$0xA280] =	vst v63  }
0x31: {  	_ =	swait.ge [sflag:s7], $0xA000  }
.Ltmp1:
0x32: {  	[sflag:s7] =	ssyncset.done $0x0;
	(pc) =	sbr.rel @p0 .LBB2_1-.Ltmp1, $4  }
0x33: {  	[sflag:s7] =	ssyncadd.s32 $0xFFFF6000  }
0x34: {  	[hbm4b:s12+s9] =	stream.strided.scatter [tilespmem:s6], [sflag:$0x2], $0xA000, s10, s9, $0x38;
	[tilespmem:$0xA280] =	vst v63  }
0x35: {  	_ =	swait.ge [sflag:s3], $0xA000  }
0x36: {  	[sflag:s3] =	ssyncset.done $0x0  }
.LBB2_2:
0x37: {  	[sflag:s3] =	ssyncadd.s32 $0xFFFF6000  }
0x38: {  	_ =	sfence.sel $0x180000  }
0x39: {  	[bflag:$0x0] =	sbarrier.arrive $0xFFFF  }
0x3a: {  	p0 =	sne.s32 s0, $0x0;
	_ =	strace $0x90000053  }
0x3b: {  	s0 =	sadd.s32 @!p0 $0x100000, s1;
	[bflag:$0x2] =	sbarrier.arrive $0xFFFF  }
0x3c: {  	[sflag:s0] =	ssyncadd.tile.s32 @!p0 $0x1;
	_ =	shalt  }
.Lfunc_end2:
_tile_overlayer_lowered:
.L_overlay_start_2:
0x3d: {  	(tag) =	ssettag $0x2  }
0x3e: {  	s0 =	rddreg [dreg:$0x0];
	s2 =	stileid.u32  }
0x3f: {  	s1 =	rddreg [dreg:$0x1];
	p0 =	sne.s32 s2, $0x0  }
0x40: {  	s3 =	rddreg [dreg:$0x2];
	[bflag:$0x3] =	sbarrier.arrive $0xFFFF;
	s2 =	simm.s32 @!p0 $0x1C02  }
0x41: {  	[timem:s3], [sflag:s2] =	dma.local @!p0 [hbm:s0], s1  }
0x42: {  	s0 =	simm.s32 @!p0 $0x2  }
0x43: {  	_ =	swait.ge @!p0 [sflag:s0], s1  }
0x44: {  	s1 =	ssub.s32 @!p0 $0x0, s1;
	[sflag:s0] =	ssyncset.done @!p0 $0x0  }
0x45: {  	[sflag:s0] =	ssyncadd.s32 @!p0 s1  }
0x46: {  	[bflag:$0x3] =	sbarrier.arrive $0xFFFF  }
0x47: {  	_ =	shalt  }

</sc_bundles>
